<compile_context>
chip_gen: v7x
topology: tpu7x:2x2x1
jax: 0.10.2.dev20260603
libtpu: 0.0.44.dev20260713+nightly
codegen_flags: <defaults>
</compile_context>

<pallas_src>
import functools

import jax
import jax.numpy as jnp
from jax import lax
from jax.experimental import pallas as pl
from jax.experimental.pallas import tpu as pltpu
from jax.experimental.pallas import tpu_sc as plsc

N = 10000
T = 10
D_IN = 128
HID = 256
OUT_DIM = 128
HALF = 128
E = 160000

NC = 2
NS = 16
CHUNK = 128
NCHUNK = 80
EPT = NCHUNK * CHUNK
E_PAD = EPT * NS
NROW = 10240
ZPT = NROW // NS
RPT = 624
TAIL0 = RPT * NS
TAIL = N - TAIL0

SROW = 128
NG = 10
GROW = 64
NSTG = 10
NSTR = 16

BN = 1000
NB = N // BN

T_PER_SC = T // NC

_mesh = plsc.VectorSubcoreMesh(
    core_axis_name="c", subcore_axis_name="s", num_cores=NC, num_subcores=NS)


@functools.partial(
    pl.kernel,
    out_type=jax.ShapeDtypeStruct((T, N, HALF), jnp.float32),
    mesh=_mesh,
    scratch_types=[
        pltpu.VMEM_SHARED((NROW, HALF), jnp.float32),
        pltpu.VMEM((NG, 8, CHUNK), jnp.int32),
        pltpu.VMEM((SROW, HALF), jnp.float32),
        pltpu.SemaphoreType.DMA,
    ],
)
def _deg_kernel(dst_hbm, ones_hbm, out_hbm, acc, dst_v, ones_v, sem):
    c = lax.axis_index("c")
    s = lax.axis_index("s")
    pltpu.sync_copy(ones_hbm.at[pl.ds(0, SROW)], ones_v)

    def per_t(i, carry):
        t = c * T_PER_SC + i
        pltpu.sync_copy(ones_hbm, acc.at[pl.ds(s * ZPT, ZPT)])
        pltpu.sync_copy(dst_hbm.at[t, s], dst_v)
        plsc.subcore_barrier()

        def fire(g, carry2):
            for r in range(8):
                pltpu.async_copy(ones_v, acc.at[dst_v.at[g, r]], sem,
                                 add=True)
            return carry2

        lax.fori_loop(0, NG, fire, 0)

        def drain(g, carry2):
            for r in range(8):
                pltpu.make_async_copy(
                    ones_v, acc.at[dst_v.at[g, r]], sem).wait()
            return carry2

        lax.fori_loop(0, NG, drain, 0)
        plsc.subcore_barrier()
        pltpu.sync_copy(acc.at[pl.ds(s * RPT, RPT)],
                        out_hbm.at[t, pl.ds(s * RPT, RPT)])

        @pl.when(s == NS - 1)
        def _():
            pltpu.sync_copy(acc.at[pl.ds(TAIL0, TAIL)],
                            out_hbm.at[t, pl.ds(TAIL0, TAIL)])

        plsc.subcore_barrier()
        return carry

    lax.fori_loop(0, T_PER_SC, per_t, 0)


@functools.partial(
    pl.kernel,
    out_type=jax.ShapeDtypeStruct((T, NC, N, HALF), jnp.float32),
    mesh=_mesh,
    scratch_types=[
        pltpu.VMEM_SHARED((NROW, HALF), jnp.float32),
        pltpu.VMEM((NSTR, GROW), jnp.int32),
        pltpu.VMEM((NSTR, GROW), jnp.int32),
        pltpu.VMEM((NSTR, GROW), jnp.int32),
        pltpu.VMEM((NSTR, GROW), jnp.int32),
        pltpu.VMEM((GROW, HALF), jnp.float32),
        pltpu.VMEM((GROW, HALF), jnp.float32),
        pltpu.VMEM((GROW, HALF), jnp.float32),
        pltpu.VMEM((GROW, HALF), jnp.float32),
        pltpu.SemaphoreType.DMA,
        pltpu.SemaphoreType.DMA,
        pltpu.SemaphoreType.DMA,
        pltpu.SemaphoreType.DMA,
        pltpu.SemaphoreType.DMA,
        pltpu.SemaphoreType.DMA,
        pltpu.SemaphoreType.DMA,
        pltpu.SemaphoreType.DMA,
        pltpu.SemaphoreType.DMA,
        pltpu.SemaphoreType.DMA,
    ],
)
def _edge_kernel(y_hbm, src_hbm, dst_hbm, out_hbm, acc,
                 sv0, dv0, sv1, dv1, buf0, buf1, buf2, buf3,
                 gs0, gs1, gs2, gs3, ss0, ss1, ss2, ss3, is0, is1):
    c = lax.axis_index("c")
    s = lax.axis_index("s")
    BUFS = (buf0, buf1, buf2, buf3)
    GS = (gs0, gs1, gs2, gs3)
    SS = (ss0, ss1, ss2, ss3)

    def per_t(t, carry):
        yt = y_hbm.at[t, c]
        hbm64 = y_hbm.at[t, c, pl.ds(0, GROW)]

        def emit_stage(sv, dv, svn, isemn, reload_fn):
            for k in range(NSTR):
                b = k % 4
                pltpu.make_async_copy(yt.at[sv.at[k]], BUFS[b], GS[b]).wait()
                pltpu.async_copy(BUFS[b], acc.at[dv.at[k]], SS[b], add=True)
                ob = (k + 2) % 4
                pltpu.make_async_copy(hbm64, BUFS[ob], SS[ob]).wait()
                if k == 2 and reload_fn is not None:
                    reload_fn()
                if k < NSTR - 2:
                    pltpu.async_copy(yt.at[sv.at[k + 2]], BUFS[ob], GS[ob])
                else:
                    if k == NSTR - 2:
                        pltpu.make_async_copy(src_hbm.at[t, s, 0], svn,
                                              isemn).wait()
                        pltpu.make_async_copy(src_hbm.at[t, s, 0],
                                              dv0 if svn is sv0 else dv1,
                                              isemn).wait()
                    pltpu.async_copy(yt.at[svn.at[k - (NSTR - 2)]], BUFS[ob],
                                     GS[ob])

        pltpu.sync_copy(y_hbm.at[t, c, pl.ds(s * RPT, RPT)],
                        acc.at[pl.ds(s * RPT, RPT)])

        @pl.when(s == NS - 1)
        def _():
            pltpu.sync_copy(y_hbm.at[t, c, pl.ds(TAIL0, TAIL)],
                            acc.at[pl.ds(TAIL0, TAIL)])

        pltpu.sync_copy(src_hbm.at[t, s, 0], sv0)
        pltpu.sync_copy(dst_hbm.at[t, s, 0], dv0)
        plsc.subcore_barrier()

        pltpu.async_copy(yt.at[sv0.at[0]], buf0, gs0)
        pltpu.async_copy(yt.at[sv0.at[1]], buf1, gs1)
        pltpu.async_copy(hbm64, buf2, ss2)
        pltpu.async_copy(hbm64, buf3, ss3)

        def body(sp, carry2):
            sb = 2 * sp + 1

            def load_set1():
                pltpu.async_copy(src_hbm.at[t, s, sb], sv1, is1)
                pltpu.async_copy(dst_hbm.at[t, s, sb], dv1, is1)

            def load_set0():
                sn = jnp.minimum(2 * sp + 2, NSTG - 1)
                pltpu.async_copy(src_hbm.at[t, s, sn], sv0, is0)
                pltpu.async_copy(dst_hbm.at[t, s, sn], dv0, is0)

            emit_stage(sv0, dv0, sv1, is1, load_set1)
            emit_stage(sv1, dv1, sv0, is0, load_set0)
            return carry2

        lax.fori_loop(0, NSTG // 2, body, 0)
        pltpu.make_async_copy(hbm64, buf0, gs0).wait()
        pltpu.make_async_copy(hbm64, buf1, gs1).wait()
        pltpu.make_async_copy(hbm64, buf2, ss2).wait()
        pltpu.make_async_copy(hbm64, buf3, ss3).wait()
        plsc.subcore_barrier()
        pltpu.sync_copy(acc.at[pl.ds(s * RPT, RPT)],
                        out_hbm.at[t, c, pl.ds(s * RPT, RPT)])

        @pl.when(s == NS - 1)
        def _():
            pltpu.sync_copy(acc.at[pl.ds(TAIL0, TAIL)],
                            out_hbm.at[t, c, pl.ds(TAIL0, TAIL)])

        plsc.subcore_barrier()
        return carry

    lax.fori_loop(0, T, per_t, 0)


def _tc1_body(x_ref, deg_ref, w_ref, o_ref):
    xt = x_ref[0]
    y = jnp.dot(xt, w_ref[...], preferred_element_type=jnp.float32)
    dinv = lax.rsqrt(deg_ref[0, 0, 0])
    y = y * dinv[:, None]
    o_ref[0, 0] = y[:, :HALF]
    o_ref[0, 1] = y[:, HALF:]


def _tc2_body(z_ref, deg_ref, b1_ref, w2_ref, o_ref):
    z = jnp.concatenate([z_ref[0, 0], z_ref[0, 1]], axis=1)
    dinv = lax.rsqrt(deg_ref[0, 0, 0])
    h = jnp.maximum(z * dinv[:, None] + b1_ref[...], 0.0)
    y = jnp.dot(h, w2_ref[...], preferred_element_type=jnp.float32)
    y = y * dinv[:, None]
    o_ref[0, 0] = y[:, :HALF]
    o_ref[0, 1] = y[:, HALF:]


def _lstm_body(z_ref, deg_ref, b2_ref, wih_ref, whh_ref, bih_ref, bhh_ref,
               fcw_ref, fcb_ref, o_ref):
    h = jnp.zeros((BN, HID), jnp.float32)
    cc = jnp.zeros((BN, HID), jnp.float32)
    bg = bih_ref[...] + bhh_ref[...]
    for t in range(T):
        z = jnp.concatenate([z_ref[t, 0], z_ref[t, 1]], axis=1)
        dinv = lax.rsqrt(deg_ref[t, 0, 0])
        xt = z * dinv[:, None] + b2_ref[...]
        g = (jnp.dot(xt, wih_ref[...], preferred_element_type=jnp.float32)
             + jnp.dot(h, whh_ref[...], preferred_element_type=jnp.float32)
             + bg)
        gi = jax.nn.sigmoid(g[:, :HID])
        gf = jax.nn.sigmoid(g[:, HID:2 * HID])
        gg = jnp.tanh(g[:, 2 * HID:3 * HID])
        go = jax.nn.sigmoid(g[:, 3 * HID:])
        cc = gf * cc + gi * gg
        h = go * jnp.tanh(cc)
    o_ref[...] = (jnp.dot(h, fcw_ref[...], preferred_element_type=jnp.float32)
                  + fcb_ref[...])


def _tc1_call(xr, deg3, w1):
    return pl.pallas_call(
        _tc1_body,
        grid=(T, NB),
        in_specs=[
            pl.BlockSpec((1, BN, D_IN), lambda t, i: (t, i, 0)),
            pl.BlockSpec((1, 1, 1, BN), lambda t, i: (t, i, 0, 0)),
            pl.BlockSpec((D_IN, HID), lambda t, i: (0, 0)),
        ],
        out_specs=pl.BlockSpec((1, NC, BN, HALF), lambda t, i: (t, 0, i, 0)),
        out_shape=jax.ShapeDtypeStruct((T, NC, N, HALF), jnp.float32),
    )(xr, deg3, w1)


def _tc2_call(z1, deg3, b1, w2):
    return pl.pallas_call(
        _tc2_body,
        grid=(T, NB),
        in_specs=[
            pl.BlockSpec((1, NC, BN, HALF), lambda t, i: (t, 0, i, 0)),
            pl.BlockSpec((1, 1, 1, BN), lambda t, i: (t, i, 0, 0)),
            pl.BlockSpec((1, HID), lambda t, i: (0, 0)),
            pl.BlockSpec((HID, HID), lambda t, i: (0, 0)),
        ],
        out_specs=pl.BlockSpec((1, NC, BN, HALF), lambda t, i: (t, 0, i, 0)),
        out_shape=jax.ShapeDtypeStruct((T, NC, N, HALF), jnp.float32),
    )(z1, deg3, b1, w2)


def _lstm_call(z2, deg3, b2, wihT, whhT, bih, bhh, fcw, fcb):
    return pl.pallas_call(
        _lstm_body,
        grid=(NB,),
        in_specs=[
            pl.BlockSpec((T, NC, BN, HALF), lambda i: (0, 0, i, 0)),
            pl.BlockSpec((T, 1, 1, BN), lambda i: (0, i, 0, 0)),
            pl.BlockSpec((1, HID), lambda i: (0, 0)),
            pl.BlockSpec((HID, 4 * HID), lambda i: (0, 0)),
            pl.BlockSpec((HID, 4 * HID), lambda i: (0, 0)),
            pl.BlockSpec((1, 4 * HID), lambda i: (0, 0)),
            pl.BlockSpec((1, 4 * HID), lambda i: (0, 0)),
            pl.BlockSpec((HID, OUT_DIM), lambda i: (0, 0)),
            pl.BlockSpec((1, OUT_DIM), lambda i: (0, 0)),
        ],
        out_specs=pl.BlockSpec((BN, OUT_DIM), lambda i: (i, 0)),
        out_shape=jax.ShapeDtypeStruct((N, OUT_DIM), jnp.float32),
    )(z2, deg3, b2, wihT, whhT, bih, bhh, fcw, fcb)


def _edge_arrays(edge_indices):
    ei = edge_indices.astype(jnp.int32)
    pad = E_PAD - E
    spread_src = jnp.broadcast_to(jnp.arange(pad, dtype=jnp.int32) % N,
                                  (T, pad))
    spread_dst = jnp.broadcast_to(
        N + (jnp.arange(pad, dtype=jnp.int32) % (NROW - N)), (T, pad))
    src = jnp.concatenate([ei[:, 0], spread_src], axis=1)
    dst = jnp.concatenate([ei[:, 1], spread_dst], axis=1)
    src_r = src.reshape(T, NS, NSTG, NSTR, GROW)
    dst_r = dst.reshape(T, NS, NSTG, NSTR, GROW)
    return src_r, dst_r


@jax.jit
def _deg_run(edge_indices):
    ei = edge_indices.astype(jnp.int32)
    pad = E_PAD - E
    spread_dst = jnp.broadcast_to(
        N + (jnp.arange(pad, dtype=jnp.int32) % (NROW - N)), (T, pad))
    dst = jnp.concatenate([ei[:, 1], spread_dst], axis=1)
    dst_r = dst.reshape(T, NS, NG, 8, CHUNK)
    ones = jnp.ones((ZPT, HALF), jnp.float32)
    degp1 = _deg_kernel(dst_r, ones)
    return degp1[:, :, 0].reshape(T, NB, 1, BN)


@jax.jit
def _run(deg3, x, edge_indices, gcn1_W, gcn1_b, gcn2_W, gcn2_b, W_ih, W_hh,
         b_ih, b_hh, fc_W, fc_b):
    src_r, dst_r = _edge_arrays(edge_indices)

    xr = jnp.transpose(x[0], (1, 0, 2))
    y1 = _tc1_call(xr, deg3, gcn1_W)
    z1 = _edge_kernel(y1, src_r, dst_r)
    y2 = _tc2_call(z1, deg3, gcn1_b.reshape(1, HID), gcn2_W)
    z2 = _edge_kernel(y2, src_r, dst_r)
    out = _lstm_call(z2, deg3, gcn2_b.reshape(1, HID), W_ih.T, W_hh.T,
                     b_ih.reshape(1, 4 * HID), b_hh.reshape(1, 4 * HID),
                     fc_W, fc_b.reshape(1, OUT_DIM))
    return out.reshape(1, N, OUT_DIM)


def kernel(x, edge_indices, gcn1_W, gcn1_b, gcn2_W, gcn2_b, W_ih, W_hh,
           b_ih, b_hh, fc_W, fc_b):
    deg3 = _deg_run(edge_indices)
    return _run(deg3, x, edge_indices, gcn1_W, gcn1_b, gcn2_W, gcn2_b,
                W_ih, W_hh, b_ih, b_hh, fc_W, fc_b)

# --- scband reference (transcript-rebuilt; emitter-appended) ---
"""Pipeline reference for scband-temporal-gcn-54700703482317 (READ-ONLY COPY).

The authoritative reference and input builder live on the scoring server;
editing this copy changes nothing except your own understanding.
"""

import jax, jax.numpy as jnp
import numpy as np

NUM_NODES = 10000
NUM_T = 10
IN_DIM = 128
HID = 256
OUT_DIM = 128
E = 160000

def setup_inputs(seed: int = 0) -> dict:
    key = jax.random.key(seed)
    ks = jax.random.split(key, 12)
    x = jax.random.uniform(ks[0], (1, NUM_NODES, NUM_T, IN_DIM), dtype=jnp.float32)
    edge_indices = jax.random.randint(ks[1], (NUM_T, 2, E), 0, NUM_NODES, dtype=jnp.int64)
    s1 = 1.0 / np.sqrt(IN_DIM); s2 = 1.0 / np.sqrt(HID)
    gcn1_W = jax.random.uniform(ks[2], (IN_DIM, HID), jnp.float32, -s1, s1)
    gcn1_b = jnp.zeros((HID,), jnp.float32)
    gcn2_W = jax.random.uniform(ks[3], (HID, HID), jnp.float32, -s2, s2)
    gcn2_b = jnp.zeros((HID,), jnp.float32)
    W_ih = jax.random.uniform(ks[4], (4 * HID, HID), jnp.float32, -s2, s2)
    W_hh = jax.random.uniform(ks[5], (4 * HID, HID), jnp.float32, -s2, s2)
    b_ih = jax.random.uniform(ks[6], (4 * HID,), jnp.float32, -s2, s2)
    b_hh = jax.random.uniform(ks[7], (4 * HID,), jnp.float32, -s2, s2)
    fc_W = jax.random.uniform(ks[8], (HID, OUT_DIM), jnp.float32, -s2, s2)
    fc_b = jax.random.uniform(ks[9], (OUT_DIM,), jnp.float32, -s2, s2)
    return {"x": x, "edge_indices": edge_indices, "gcn1_W": gcn1_W, "gcn1_b": gcn1_b, "gcn2_W": gcn2_W, "gcn2_b": gcn2_b, "W_ih": W_ih, "W_hh": W_hh, "b_ih": b_ih, "b_hh": b_hh, "fc_W": fc_W, "fc_b": fc_b}

def gcn_conv(x, edge_index, W, b, num_nodes):
    # PyG GCNConv: add self-loops, symmetric normalization, x @ W, scatter-add
    loop = jnp.arange(num_nodes, dtype=edge_index.dtype)
    src = jnp.concatenate([edge_index[0], loop])
    dst = jnp.concatenate([edge_index[1], loop])
    deg = jnp.zeros((num_nodes,), jnp.float32).at[dst].add(1.0)
    dinv = jnp.where(deg > 0, deg ** -0.5, 0.0)
    norm = dinv[src] * dinv[dst]
    xw = x @ W
    msg = xw[src] * norm[:, None]
    out = jnp.zeros((num_nodes, W.shape[1]), jnp.float32).at[dst].add(msg)
    return out + b

def reference(x, edge_indices, gcn1_W, gcn1_b, gcn2_W, gcn2_b, W_ih, W_hh, b_ih, b_hh, fc_W, fc_b):
    B, N, T, D = x.shape
    xf = x.reshape(B * N, T, D)
    outs = []
    for t in range(T):
        xt = xf[:, t, :]
        ei = edge_indices[t]
        h = gcn_conv(xt, ei, gcn1_W, gcn1_b, N)
        h = jax.nn.relu(h)
        h = gcn_conv(h, ei, gcn2_W, gcn2_b, N)
        outs.append(h)
    seq = jnp.stack(outs, axis=1)  # [B*N, T, HID]
    H = W_hh.shape[1]
    def step(carry, xt):
        h, c = carry
        gates = xt @ W_ih.T + b_ih + h @ W_hh.T + b_hh
        i, f, g, o = jnp.split(gates, 4, axis=-1)
        i = jax.nn.sigmoid(i); f = jax.nn.sigmoid(f)
        g = jnp.tanh(g); o = jax.nn.sigmoid(o)
        c = f * c + i * g
        h = o * jnp.tanh(c)
        return (h, c), None
    h0 = jnp.zeros((B * N, H), jnp.float32)
    c0 = jnp.zeros((B * N, H), jnp.float32)
    (hT, _), _ = jax.lax.scan(step, (h0, c0), jnp.swapaxes(seq, 0, 1))
    out = hT.reshape(B, N, H)
    return out @ fc_W + fc_b

if __name__ == "__main__":
    import jax
    _d = setup_inputs()
    print(jax.jit(kernel)(*tuple(_d.values())))

</pallas_src>

<mosaic_0001>
#map = affine_map<(d0, d1) -> (0, 0, 0, 0, 0)>
#map1 = affine_map<(d0, d1) -> (0, 0)>
#map2 = affine_map<(d0, d1) -> (0, 0, 0)>
module attributes {stable_mosaic.version = 14 : i64} {
  func.func @_deg_kernel(%arg0: i32, %arg1: i32, %arg2: memref<10x16x10x8x128xi32, #tpu.memory_space<hbm>>, %arg3: memref<640x128xf32, #tpu.memory_space<hbm>>, %arg4: memref<10x10000x128xf32, #tpu.memory_space<hbm>>, %arg5: memref<10240x128xf32, #tpu.memory_space<vmem_shared>>, %arg6: memref<10x8x128xi32, #tpu.memory_space<vmem>>, %arg7: memref<128x128xf32, #tpu.memory_space<vmem>>, %arg8: memref<!tpu.dma_semaphore, #tpu.memory_space<semaphore_mem>>) attributes {dimension_semantics = [#tpu.dimension_semantics<core_parallel>, #tpu.dimension_semantics<subcore_parallel>], iteration_bounds = array<i64: 2, 16>, scalar_prefetch = 0 : i64, scratch_operands = 4 : i64, tpu.core_type = #tpu.core_type<sc_vector_subcore>, window_params = [{transform_indices = #map}, {transform_indices = #map1}, {transform_indices = #map2}]} {
    "tpu.region"() ({
      %run_scoped3A = tpu.sem_alloc : memref<!tpu.dma_semaphore, #tpu.memory_space<semaphore_mem>>
      %dma_start3A = arith.constant 0 : i32
      %dma_start3A_5 = arith.constant 0 : i32
      %dma_start3A_6 = tpu.memref_slice %arg3[%dma_start3A, %dma_start3A_5] : memref<640x128xf32, #tpu.memory_space<hbm>> -> memref<128x128xf32, #tpu.memory_space<hbm>>
      %dma_start3A_7 = arith.constant 0 : i32
      %dma_start3A_8 = arith.constant 0 : i32
      %dma_start3A_9 = tpu.memref_slice %arg3[%dma_start3A_7, %dma_start3A_8] : memref<640x128xf32, #tpu.memory_space<hbm>> -> memref<128x128xf32, #tpu.memory_space<hbm>>
      tpu.enqueue_dma source(%dma_start3A_9 : memref<128x128xf32, #tpu.memory_space<hbm>>) target(%arg7 : memref<128x128xf32, #tpu.memory_space<vmem>>) target_semaphore(%run_scoped3A : memref<!tpu.dma_semaphore, #tpu.memory_space<semaphore_mem>>)
      %dma_wait3A = arith.constant 0 : i32
      %dma_wait3A_10 = arith.constant 0 : i32
      %dma_wait3A_11 = tpu.memref_slice %arg3[%dma_wait3A, %dma_wait3A_10] : memref<640x128xf32, #tpu.memory_space<hbm>> -> memref<128x128xf32, #tpu.memory_space<hbm>>
      %dma_wait3A_12 = arith.constant 0 : i32
      %dma_wait3A_13 = arith.constant 0 : i32
      %dma_wait3A_14 = tpu.memref_slice %arg3[%dma_wait3A_12, %dma_wait3A_13] : memref<640x128xf32, #tpu.memory_space<hbm>> -> memref<128x128xf32, #tpu.memory_space<hbm>>
      tpu.wait_dma2 semaphore(%run_scoped3A : memref<!tpu.dma_semaphore, #tpu.memory_space<semaphore_mem>>) src(%dma_wait3A_14 : memref<128x128xf32, #tpu.memory_space<hbm>>) dst(%arg7 : memref<128x128xf32, #tpu.memory_space<vmem>>)
      tpu.yield
    }) : () -> ()
    %scan3A = arith.constant 0 : i32
    %scan3A_0 = arith.constant 0 : i32
    %scan3A_1 = arith.constant 5 : i32
    %scan3A_2 = arith.addi %scan3A_0, %scan3A_1 : i32
    %scan3A_3 = arith.constant 1 : i32
    scf.for %scan3A_5 = %scan3A_0 to %scan3A_2 step %scan3A_3  : i32 {
      %mul3A = arith.constant 5 : i32
      %mul3A_6 = arith.muli %arg0, %mul3A : i32
      %add3A = arith.addi %mul3A_6, %scan3A_5 : i32
      %mul3A_7 = arith.constant 640 : i32
      %mul3A_8 = arith.muli %arg1, %mul3A_7 : i32
      "tpu.region"() ({
        %run_scoped3A = tpu.sem_alloc : memref<!tpu.dma_semaphore, #tpu.memory_space<semaphore_mem>>
        %dma_start3A = arith.constant 0 : i32
        %dma_start3A_29 = tpu.memref_slice %arg5[%mul3A_8, %dma_start3A] : memref<10240x128xf32, #tpu.memory_space<vmem_shared>> -> memref<640x128xf32, #tpu.memory_space<vmem_shared>>
        tpu.enqueue_dma source(%arg3 : memref<640x128xf32, #tpu.memory_space<hbm>>) target(%dma_start3A_29 : memref<640x128xf32, #tpu.memory_space<vmem_shared>>) target_semaphore(%run_scoped3A : memref<!tpu.dma_semaphore, #tpu.memory_space<semaphore_mem>>)
        %dma_wait3A = arith.constant 0 : i32
        %dma_wait3A_30 = tpu.memref_slice %arg5[%mul3A_8, %dma_wait3A] : memref<10240x128xf32, #tpu.memory_space<vmem_shared>> -> memref<640x128xf32, #tpu.memory_space<vmem_shared>>
        tpu.wait_dma2 semaphore(%run_scoped3A : memref<!tpu.dma_semaphore, #tpu.memory_space<semaphore_mem>>) src(%arg3 : memref<640x128xf32, #tpu.memory_space<hbm>>) dst(%dma_wait3A_30 : memref<640x128xf32, #tpu.memory_space<vmem_shared>>)
        tpu.yield
      }) : () -> ()
      "tpu.region"() ({
        %run_scoped3A = tpu.sem_alloc : memref<!tpu.dma_semaphore, #tpu.memory_space<semaphore_mem>>
        %dma_start3A = arith.constant 0 : i32
        %dma_start3A_29 = arith.constant 0 : i32
        %dma_start3A_30 = arith.constant 0 : i32
        %dma_start3A_31 = tpu.memref_slice %arg2[%add3A, %arg1, %dma_start3A, %dma_start3A_29, %dma_start3A_30] : memref<10x16x10x8x128xi32, #tpu.memory_space<hbm>> -> memref<1x1x10x8x128xi32, #tpu.memory_space<hbm>>
        %dma_start3A_32 = tpu.memref_squeeze %dma_start3A_31 : memref<1x1x10x8x128xi32, #tpu.memory_space<hbm>> -> memref<10x8x128xi32, #tpu.memory_space<hbm>>
        %dma_start3A_33 = arith.constant 0 : i32
        %dma_start3A_34 = arith.constant 0 : i32
        %dma_start3A_35 = arith.constant 0 : i32
        %dma_start3A_36 = tpu.memref_slice %arg2[%add3A, %arg1, %dma_start3A_33, %dma_start3A_34, %dma_start3A_35] : memref<10x16x10x8x128xi32, #tpu.memory_space<hbm>> -> memref<1x1x10x8x128xi32, #tpu.memory_space<hbm>>
        %dma_start3A_37 = tpu.memref_squeeze %dma_start3A_36 : memref<1x1x10x8x128xi32, #tpu.memory_space<hbm>> -> memref<10x8x128xi32, #tpu.memory_space<hbm>>
        tpu.enqueue_dma source(%dma_start3A_37 : memref<10x8x128xi32, #tpu.memory_space<hbm>>) target(%arg6 : memref<10x8x128xi32, #tpu.memory_space<vmem>>) target_semaphore(%run_scoped3A : memref<!tpu.dma_semaphore, #tpu.memory_space<semaphore_mem>>)
        %dma_wait3A = arith.constant 0 : i32
        %dma_wait3A_38 = arith.constant 0 : i32
        %dma_wait3A_39 = arith.constant 0 : i32
        %dma_wait3A_40 = tpu.memref_slice %arg2[%add3A, %arg1, %dma_wait3A, %dma_wait3A_38, %dma_wait3A_39] : memref<10x16x10x8x128xi32, #tpu.memory_space<hbm>> -> memref<1x1x10x8x128xi32, #tpu.memory_space<hbm>>
        %dma_wait3A_41 = tpu.memref_squeeze %dma_wait3A_40 : memref<1x1x10x8x128xi32, #tpu.memory_space<hbm>> -> memref<10x8x128xi32, #tpu.memory_space<hbm>>
        %dma_wait3A_42 = arith.constant 0 : i32
        %dma_wait3A_43 = arith.constant 0 : i32
        %dma_wait3A_44 = arith.constant 0 : i32
        %dma_wait3A_45 = tpu.memref_slice %arg2[%add3A, %arg1, %dma_wait3A_42, %dma_wait3A_43, %dma_wait3A_44] : memref<10x16x10x8x128xi32, #tpu.memory_space<hbm>> -> memref<1x1x10x8x128xi32, #tpu.memory_space<hbm>>
        %dma_wait3A_46 = tpu.memref_squeeze %dma_wait3A_45 : memref<1x1x10x8x128xi32, #tpu.memory_space<hbm>> -> memref<10x8x128xi32, #tpu.memory_space<hbm>>
        tpu.wait_dma2 semaphore(%run_scoped3A : memref<!tpu.dma_semaphore, #tpu.memory_space<semaphore_mem>>) src(%dma_wait3A_46 : memref<10x8x128xi32, #tpu.memory_space<hbm>>) dst(%arg6 : memref<10x8x128xi32, #tpu.memory_space<vmem>>)
        tpu.yield
      }) : () -> ()
      %barrier3A = arith.constant 0 : index
      tpu.barrier barrier_id(%barrier3A)
      %scan3A_9 = arith.constant 0 : i32
      %scan3A_10 = arith.constant 0 : i32
      %scan3A_11 = arith.constant 10 : i32
      %scan3A_12 = arith.addi %scan3A_10, %scan3A_11 : i32
      %scan3A_13 = arith.constant 1 : i32
      scf.for %scan3A_29 = %scan3A_10 to %scan3A_12 step %scan3A_13  : i32 {
        %dma_start3A = arith.constant 0 : i32
        %dma_start3A_30 = arith.constant 0 : i32
        %dma_start3A_31 = tpu.memref_slice %arg6[%scan3A_29, %dma_start3A, %dma_start3A_30] : memref<10x8x128xi32, #tpu.memory_space<vmem>> -> memref<1x1x128xi32, #tpu.memory_space<vmem>>
        %dma_start3A_32 = tpu.memref_squeeze %dma_start3A_31 : memref<1x1x128xi32, #tpu.memory_space<vmem>> -> memref<128xi32, #tpu.memory_space<vmem>>
        %dma_start3A_33 = arith.constant 0 : i32
        %dma_start3A_34 = arith.constant 0 : i32
        %dma_start3A_35 = tpu.memref_slice %arg5[%dma_start3A_33, %dma_start3A_34] : memref<10240x128xf32, #tpu.memory_space<vmem_shared>> -> memref<10240x128xf32, #tpu.memory_space<vmem_shared>>
        tpu.enqueue_indirect_dma source(%arg7 : memref<128x128xf32, #tpu.memory_space<vmem>>) target(%dma_start3A_35 : memref<10240x128xf32, #tpu.memory_space<vmem_shared>>) offsets(%dma_start3A_32 : memref<128xi32, #tpu.memory_space<vmem>>) semaphore(%arg8 : memref<!tpu.dma_semaphore, #tpu.memory_space<semaphore_mem>>) {add = true}
        %dma_start3A_36 = arith.constant 1 : i32
        %dma_start3A_37 = arith.constant 0 : i32
        %dma_start3A_38 = tpu.memref_slice %arg6[%scan3A_29, %dma_start3A_36, %dma_start3A_37] : memref<10x8x128xi32, #tpu.memory_space<vmem>> -> memref<1x1x128xi32, #tpu.memory_space<vmem>>
        %dma_start3A_39 = tpu.memref_squeeze %dma_start3A_38 : memref<1x1x128xi32, #tpu.memory_space<vmem>> -> memref<128xi32, #tpu.memory_space<vmem>>
        %dma_start3A_40 = arith.constant 0 : i32
        %dma_start3A_41 = arith.constant 0 : i32
        %dma_start3A_42 = tpu.memref_slice %arg5[%dma_start3A_40, %dma_start3A_41] : memref<10240x128xf32, #tpu.memory_space<vmem_shared>> -> memref<10240x128xf32, #tpu.memory_space<vmem_shared>>
        tpu.enqueue_indirect_dma source(%arg7 : memref<128x128xf32, #tpu.memory_space<vmem>>) target(%dma_start3A_42 : memref<10240x128xf32, #tpu.memory_space<vmem_shared>>) offsets(%dma_start3A_39 : memref<128xi32, #tpu.memory_space<vmem>>) semaphore(%arg8 : memref<!tpu.dma_semaphore, #tpu.memory_space<semaphore_mem>>) {add = true}
        %dma_start3A_43 = arith.constant 2 : i32
        %dma_start3A_44 = arith.constant 0 : i32
        %dma_start3A_45 = tpu.memref_slice %arg6[%scan3A_29, %dma_start3A_43, %dma_start3A_44] : memref<10x8x128xi32, #tpu.memory_space<vmem>> -> memref<1x1x128xi32, #tpu.memory_space<vmem>>
        %dma_start3A_46 = tpu.memref_squeeze %dma_start3A_45 : memref<1x1x128xi32, #tpu.memory_space<vmem>> -> memref<128xi32, #tpu.memory_space<vmem>>
        %dma_start3A_47 = arith.constant 0 : i32
        %dma_start3A_48 = arith.constant 0 : i32
        %dma_start3A_49 = tpu.memref_slice %arg5[%dma_start3A_47, %dma_start3A_48] : memref<10240x128xf32, #tpu.memory_space<vmem_shared>> -> memref<10240x128xf32, #tpu.memory_space<vmem_shared>>
        tpu.enqueue_indirect_dma source(%arg7 : memref<128x128xf32, #tpu.memory_space<vmem>>) target(%dma_start3A_49 : memref<10240x128xf32, #tpu.memory_space<vmem_shared>>) offsets(%dma_start3A_46 : memref<128xi32, #tpu.memory_space<vmem>>) semaphore(%arg8 : memref<!tpu.dma_semaphore, #tpu.memory_space<semaphore_mem>>) {add = true}
        %dma_start3A_50 = arith.constant 3 : i32
        %dma_start3A_51 = arith.constant 0 : i32
        %dma_start3A_52 = tpu.memref_slice %arg6[%scan3A_29, %dma_start3A_50, %dma_start3A_51] : memref<10x8x128xi32, #tpu.memory_space<vmem>> -> memref<1x1x128xi32, #tpu.memory_space<vmem>>
        %dma_start3A_53 = tpu.memref_squeeze %dma_start3A_52 : memref<1x1x128xi32, #tpu.memory_space<vmem>> -> memref<128xi32, #tpu.memory_space<vmem>>
        %dma_start3A_54 = arith.constant 0 : i32
        %dma_start3A_55 = arith.constant 0 : i32
        %dma_start3A_56 = tpu.memref_slice %arg5[%dma_start3A_54, %dma_start3A_55] : memref<10240x128xf32, #tpu.memory_space<vmem_shared>> -> memref<10240x128xf32, #tpu.memory_space<vmem_shared>>
        tpu.enqueue_indirect_dma source(%arg7 : memref<128x128xf32, #tpu.memory_space<vmem>>) target(%dma_start3A_56 : memref<10240x128xf32, #tpu.memory_space<vmem_shared>>) offsets(%dma_start3A_53 : memref<128xi32, #tpu.memory_space<vmem>>) semaphore(%arg8 : memref<!tpu.dma_semaphore, #tpu.memory_space<semaphore_mem>>) {add = true}
        %dma_start3A_57 = arith.constant 4 : i32
        %dma_start3A_58 = arith.constant 0 : i32
        %dma_start3A_59 = tpu.memref_slice %arg6[%scan3A_29, %dma_start3A_57, %dma_start3A_58] : memref<10x8x128xi32, #tpu.memory_space<vmem>> -> memref<1x1x128xi32, #tpu.memory_space<vmem>>
        %dma_start3A_60 = tpu.memref_squeeze %dma_start3A_59 : memref<1x1x128xi32, #tpu.memory_space<vmem>> -> memref<128xi32, #tpu.memory_space<vmem>>
        %dma_start3A_61 = arith.constant 0 : i32
        %dma_start3A_62 = arith.constant 0 : i32
        %dma_start3A_63 = tpu.memref_slice %arg5[%dma_start3A_61, %dma_start3A_62] : memref<10240x128xf32, #tpu.memory_space<vmem_shared>> -> memref<10240x128xf32, #tpu.memory_space<vmem_shared>>
        tpu.enqueue_indirect_dma source(%arg7 : memref<128x128xf32, #tpu.memory_space<vmem>>) target(%dma_start3A_63 : memref<10240x128xf32, #tpu.memory_space<vmem_shared>>) offsets(%dma_start3A_60 : memref<128xi32, #tpu.memory_space<vmem>>) semaphore(%arg8 : memref<!tpu.dma_semaphore, #tpu.memory_space<semaphore_mem>>) {add = true}
        %dma_start3A_64 = arith.constant 5 : i32
        %dma_start3A_65 = arith.constant 0 : i32
        %dma_start3A_66 = tpu.memref_slice %arg6[%scan3A_29, %dma_start3A_64, %dma_start3A_65] : memref<10x8x128xi32, #tpu.memory_space<vmem>> -> memref<1x1x128xi32, #tpu.memory_space<vmem>>
        %dma_start3A_67 = tpu.memref_squeeze %dma_start3A_66 : memref<1x1x128xi32, #tpu.memory_space<vmem>> -> memref<128xi32, #tpu.memory_space<vmem>>
        %dma_start3A_68 = arith.constant 0 : i32
        %dma_start3A_69 = arith.constant 0 : i32
        %dma_start3A_70 = tpu.memref_slice %arg5[%dma_start3A_68, %dma_start3A_69] : memref<10240x128xf32, #tpu.memory_space<vmem_shared>> -> memref<10240x128xf32, #tpu.memory_space<vmem_shared>>
        tpu.enqueue_indirect_dma source(%arg7 : memref<128x128xf32, #tpu.memory_space<vmem>>) target(%dma_start3A_70 : memref<10240x128xf32, #tpu.memory_space<vmem_shared>>) offsets(%dma_start3A_67 : memref<128xi32, #tpu.memory_space<vmem>>) semaphore(%arg8 : memref<!tpu.dma_semaphore, #tpu.memory_space<semaphore_mem>>) {add = true}
        %dma_start3A_71 = arith.constant 6 : i32
        %dma_start3A_72 = arith.constant 0 : i32
        %dma_start3A_73 = tpu.memref_slice %arg6[%scan3A_29, %dma_start3A_71, %dma_start3A_72] : memref<10x8x128xi32, #tpu.memory_space<vmem>> -> memref<1x1x128xi32, #tpu.memory_space<vmem>>
        %dma_start3A_74 = tpu.memref_squeeze %dma_start3A_73 : memref<1x1x128xi32, #tpu.memory_space<vmem>> -> memref<128xi32, #tpu.memory_space<vmem>>
        %dma_start3A_75 = arith.constant 0 : i32
        %dma_start3A_76 = arith.constant 0 : i32
        %dma_start3A_77 = tpu.memref_slice %arg5[%dma_start3A_75, %dma_start3A_76] : memref<10240x128xf32, #tpu.memory_space<vmem_shared>> -> memref<10240x128xf32, #tpu.memory_space<vmem_shared>>
        tpu.enqueue_indirect_dma source(%arg7 : memref<128x128xf32, #tpu.memory_space<vmem>>) target(%dma_start3A_77 : memref<10240x128xf32, #tpu.memory_space<vmem_shared>>) offsets(%dma_start3A_74 : memref<128xi32, #tpu.memory_space<vmem>>) semaphore(%arg8 : memref<!tpu.dma_semaphore, #tpu.memory_space<semaphore_mem>>) {add = true}
        %dma_start3A_78 = arith.constant 7 : i32
        %dma_start3A_79 = arith.constant 0 : i32
        %dma_start3A_80 = tpu.memref_slice %arg6[%scan3A_29, %dma_start3A_78, %dma_start3A_79] : memref<10x8x128xi32, #tpu.memory_space<vmem>> -> memref<1x1x128xi32, #tpu.memory_space<vmem>>
        %dma_start3A_81 = tpu.memref_squeeze %dma_start3A_80 : memref<1x1x128xi32, #tpu.memory_space<vmem>> -> memref<128xi32, #tpu.memory_space<vmem>>
        %dma_start3A_82 = arith.constant 0 : i32
        %dma_start3A_83 = arith.constant 0 : i32
        %dma_start3A_84 = tpu.memref_slice %arg5[%dma_start3A_82, %dma_start3A_83] : memref<10240x128xf32, #tpu.memory_space<vmem_shared>> -> memref<10240x128xf32, #tpu.memory_space<vmem_shared>>
        tpu.enqueue_indirect_dma source(%arg7 : memref<128x128xf32, #tpu.memory_space<vmem>>) target(%dma_start3A_84 : memref<10240x128xf32, #tpu.memory_space<vmem_shared>>) offsets(%dma_start3A_81 : memref<128xi32, #tpu.memory_space<vmem>>) semaphore(%arg8 : memref<!tpu.dma_semaphore, #tpu.memory_space<semaphore_mem>>) {add = true}
      }
      %scan3A_14 = arith.constant 10 : i32
      %scan3A_15 = arith.constant 0 : i32
      %scan3A_16 = arith.constant 0 : i32
      %scan3A_17 = arith.constant 10 : i32
      %scan3A_18 = arith.addi %scan3A_16, %scan3A_17 : i32
      %scan3A_19 = arith.constant 1 : i32
      scf.for %scan3A_29 = %scan3A_16 to %scan3A_18 step %scan3A_19  : i32 {
        %dma_wait3A = arith.constant 0 : i32
        %dma_wait3A_30 = arith.constant 0 : i32
        %dma_wait3A_31 = tpu.memref_slice %arg6[%scan3A_29, %dma_wait3A, %dma_wait3A_30] : memref<10x8x128xi32, #tpu.memory_space<vmem>> -> memref<1x1x128xi32, #tpu.memory_space<vmem>>
        %dma_wait3A_32 = tpu.memref_squeeze %dma_wait3A_31 : memref<1x1x128xi32, #tpu.memory_space<vmem>> -> memref<128xi32, #tpu.memory_space<vmem>>
        %dma_wait3A_33 = arith.constant 0 : i32
        %dma_wait3A_34 = arith.constant 0 : i32
        %dma_wait3A_35 = tpu.memref_slice %arg5[%dma_wait3A_33, %dma_wait3A_34] : memref<10240x128xf32, #tpu.memory_space<vmem_shared>> -> memref<10240x128xf32, #tpu.memory_space<vmem_shared>>
        tpu.wait_indirect_dma semaphore(%arg8 : memref<!tpu.dma_semaphore, #tpu.memory_space<semaphore_mem>>) src(%arg7 : memref<128x128xf32, #tpu.memory_space<vmem>>) dst(%dma_wait3A_35 : memref<10240x128xf32, #tpu.memory_space<vmem_shared>>)
        %dma_wait3A_36 = arith.constant 1 : i32
        %dma_wait3A_37 = arith.constant 0 : i32
        %dma_wait3A_38 = tpu.memref_slice %arg6[%scan3A_29, %dma_wait3A_36, %dma_wait3A_37] : memref<10x8x128xi32, #tpu.memory_space<vmem>> -> memref<1x1x128xi32, #tpu.memory_space<vmem>>
        %dma_wait3A_39 = tpu.memref_squeeze %dma_wait3A_38 : memref<1x1x128xi32, #tpu.memory_space<vmem>> -> memref<128xi32, #tpu.memory_space<vmem>>
        %dma_wait3A_40 = arith.constant 0 : i32
        %dma_wait3A_41 = arith.constant 0 : i32
        %dma_wait3A_42 = tpu.memref_slice %arg5[%dma_wait3A_40, %dma_wait3A_41] : memref<10240x128xf32, #tpu.memory_space<vmem_shared>> -> memref<10240x128xf32, #tpu.memory_space<vmem_shared>>
        tpu.wait_indirect_dma semaphore(%arg8 : memref<!tpu.dma_semaphore, #tpu.memory_space<semaphore_mem>>) src(%arg7 : memref<128x128xf32, #tpu.memory_space<vmem>>) dst(%dma_wait3A_42 : memref<10240x128xf32, #tpu.memory_space<vmem_shared>>)
        %dma_wait3A_43 = arith.constant 2 : i32
        %dma_wait3A_44 = arith.constant 0 : i32
        %dma_wait3A_45 = tpu.memref_slice %arg6[%scan3A_29, %dma_wait3A_43, %dma_wait3A_44] : memref<10x8x128xi32, #tpu.memory_space<vmem>> -> memref<1x1x128xi32, #tpu.memory_space<vmem>>
        %dma_wait3A_46 = tpu.memref_squeeze %dma_wait3A_45 : memref<1x1x128xi32, #tpu.memory_space<vmem>> -> memref<128xi32, #tpu.memory_space<vmem>>
        %dma_wait3A_47 = arith.constant 0 : i32
        %dma_wait3A_48 = arith.constant 0 : i32
        %dma_wait3A_49 = tpu.memref_slice %arg5[%dma_wait3A_47, %dma_wait3A_48] : memref<10240x128xf32, #tpu.memory_space<vmem_shared>> -> memref<10240x128xf32, #tpu.memory_space<vmem_shared>>
        tpu.wait_indirect_dma semaphore(%arg8 : memref<!tpu.dma_semaphore, #tpu.memory_space<semaphore_mem>>) src(%arg7 : memref<128x128xf32, #tpu.memory_space<vmem>>) dst(%dma_wait3A_49 : memref<10240x128xf32, #tpu.memory_space<vmem_shared>>)
        %dma_wait3A_50 = arith.constant 3 : i32
        %dma_wait3A_51 = arith.constant 0 : i32
        %dma_wait3A_52 = tpu.memref_slice %arg6[%scan3A_29, %dma_wait3A_50, %dma_wait3A_51] : memref<10x8x128xi32, #tpu.memory_space<vmem>> -> memref<1x1x128xi32, #tpu.memory_space<vmem>>
        %dma_wait3A_53 = tpu.memref_squeeze %dma_wait3A_52 : memref<1x1x128xi32, #tpu.memory_space<vmem>> -> memref<128xi32, #tpu.memory_space<vmem>>
        %dma_wait3A_54 = arith.constant 0 : i32
        %dma_wait3A_55 = arith.constant 0 : i32
        %dma_wait3A_56 = tpu.memref_slice %arg5[%dma_wait3A_54, %dma_wait3A_55] : memref<10240x128xf32, #tpu.memory_space<vmem_shared>> -> memref<10240x128xf32, #tpu.memory_space<vmem_shared>>
        tpu.wait_indirect_dma semaphore(%arg8 : memref<!tpu.dma_semaphore, #tpu.memory_space<semaphore_mem>>) src(%arg7 : memref<128x128xf32, #tpu.memory_space<vmem>>) dst(%dma_wait3A_56 : memref<10240x128xf32, #tpu.memory_space<vmem_shared>>)
        %dma_wait3A_57 = arith.constant 4 : i32
        %dma_wait3A_58 = arith.constant 0 : i32
        %dma_wait3A_59 = tpu.memref_slice %arg6[%scan3A_29, %dma_wait3A_57, %dma_wait3A_58] : memref<10x8x128xi32, #tpu.memory_space<vmem>> -> memref<1x1x128xi32, #tpu.memory_space<vmem>>
        %dma_wait3A_60 = tpu.memref_squeeze %dma_wait3A_59 : memref<1x1x128xi32, #tpu.memory_space<vmem>> -> memref<128xi32, #tpu.memory_space<vmem>>
        %dma_wait3A_61 = arith.constant 0 : i32
        %dma_wait3A_62 = arith.constant 0 : i32
        %dma_wait3A_63 = tpu.memref_slice %arg5[%dma_wait3A_61, %dma_wait3A_62] : memref<10240x128xf32, #tpu.memory_space<vmem_shared>> -> memref<10240x128xf32, #tpu.memory_space<vmem_shared>>
        tpu.wait_indirect_dma semaphore(%arg8 : memref<!tpu.dma_semaphore, #tpu.memory_space<semaphore_mem>>) src(%arg7 : memref<128x128xf32, #tpu.memory_space<vmem>>) dst(%dma_wait3A_63 : memref<10240x128xf32, #tpu.memory_space<vmem_shared>>)
        %dma_wait3A_64 = arith.constant 5 : i32
        %dma_wait3A_65 = arith.constant 0 : i32
        %dma_wait3A_66 = tpu.memref_slice %arg6[%scan3A_29, %dma_wait3A_64, %dma_wait3A_65] : memref<10x8x128xi32, #tpu.memory_space<vmem>> -> memref<1x1x128xi32, #tpu.memory_space<vmem>>
        %dma_wait3A_67 = tpu.memref_squeeze %dma_wait3A_66 : memref<1x1x128xi32, #tpu.memory_space<vmem>> -> memref<128xi32, #tpu.memory_space<vmem>>
        %dma_wait3A_68 = arith.constant 0 : i32
        %dma_wait3A_69 = arith.constant 0 : i32
        %dma_wait3A_70 = tpu.memref_slice %arg5[%dma_wait3A_68, %dma_wait3A_69] : memref<10240x128xf32, #tpu.memory_space<vmem_shared>> -> memref<10240x128xf32, #tpu.memory_space<vmem_shared>>
        tpu.wait_indirect_dma semaphore(%arg8 : memref<!tpu.dma_semaphore, #tpu.memory_space<semaphore_mem>>) src(%arg7 : memref<128x128xf32, #tpu.memory_space<vmem>>) dst(%dma_wait3A_70 : memref<10240x128xf32, #tpu.memory_space<vmem_shared>>)
        %dma_wait3A_71 = arith.constant 6 : i32
        %dma_wait3A_72 = arith.constant 0 : i32
        %dma_wait3A_73 = tpu.memref_slice %arg6[%scan3A_29, %dma_wait3A_71, %dma_wait3A_72] : memref<10x8x128xi32, #tpu.memory_space<vmem>> -> memref<1x1x128xi32, #tpu.memory_space<vmem>>
        %dma_wait3A_74 = tpu.memref_squeeze %dma_wait3A_73 : memref<1x1x128xi32, #tpu.memory_space<vmem>> -> memref<128xi32, #tpu.memory_space<vmem>>
        %dma_wait3A_75 = arith.constant 0 : i32
        %dma_wait3A_76 = arith.constant 0 : i32
        %dma_wait3A_77 = tpu.memref_slice %arg5[%dma_wait3A_75, %dma_wait3A_76] : memref<10240x128xf32, #tpu.memory_space<vmem_shared>> -> memref<10240x128xf32, #tpu.memory_space<vmem_shared>>
        tpu.wait_indirect_dma semaphore(%arg8 : memref<!tpu.dma_semaphore, #tpu.memory_space<semaphore_mem>>) src(%arg7 : memref<128x128xf32, #tpu.memory_space<vmem>>) dst(%dma_wait3A_77 : memref<10240x128xf32, #tpu.memory_space<vmem_shared>>)
        %dma_wait3A_78 = arith.constant 7 : i32
        %dma_wait3A_79 = arith.constant 0 : i32
        %dma_wait3A_80 = tpu.memref_slice %arg6[%scan3A_29, %dma_wait3A_78, %dma_wait3A_79] : memref<10x8x128xi32, #tpu.memory_space<vmem>> -> memref<1x1x128xi32, #tpu.memory_space<vmem>>
        %dma_wait3A_81 = tpu.memref_squeeze %dma_wait3A_80 : memref<1x1x128xi32, #tpu.memory_space<vmem>> -> memref<128xi32, #tpu.memory_space<vmem>>
        %dma_wait3A_82 = arith.constant 0 : i32
        %dma_wait3A_83 = arith.constant 0 : i32
        %dma_wait3A_84 = tpu.memref_slice %arg5[%dma_wait3A_82, %dma_wait3A_83] : memref<10240x128xf32, #tpu.memory_space<vmem_shared>> -> memref<10240x128xf32, #tpu.memory_space<vmem_shared>>
        tpu.wait_indirect_dma semaphore(%arg8 : memref<!tpu.dma_semaphore, #tpu.memory_space<semaphore_mem>>) src(%arg7 : memref<128x128xf32, #tpu.memory_space<vmem>>) dst(%dma_wait3A_84 : memref<10240x128xf32, #tpu.memory_space<vmem_shared>>)
      }
      %scan3A_20 = arith.constant 10 : i32
      %barrier3A_21 = arith.constant 0 : index
      tpu.barrier barrier_id(%barrier3A_21)
      %mul3A_22 = arith.constant 624 : i32
      %mul3A_23 = arith.muli %arg1, %mul3A_22 : i32
      %mul3A_24 = arith.constant 624 : i32
      %mul3A_25 = arith.muli %arg1, %mul3A_24 : i32
      "tpu.region"() ({
        %run_scoped3A = tpu.sem_alloc : memref<!tpu.dma_semaphore, #tpu.memory_space<semaphore_mem>>
        %dma_start3A = arith.constant 0 : i32
        %dma_start3A_29 = tpu.memref_slice %arg4[%add3A, %mul3A_25, %dma_start3A] : memref<10x10000x128xf32, #tpu.memory_space<hbm>> -> memref<1x624x128xf32, #tpu.memory_space<hbm>>
        %dma_start3A_30 = tpu.memref_squeeze %dma_start3A_29 : memref<1x624x128xf32, #tpu.memory_space<hbm>> -> memref<624x128xf32, #tpu.memory_space<hbm>>
        %dma_start3A_31 = arith.constant 0 : i32
        %dma_start3A_32 = tpu.memref_slice %arg5[%mul3A_23, %dma_start3A_31] : memref<10240x128xf32, #tpu.memory_space<vmem_shared>> -> memref<624x128xf32, #tpu.memory_space<vmem_shared>>
        tpu.enqueue_dma source(%dma_start3A_32 : memref<624x128xf32, #tpu.memory_space<vmem_shared>>) target(%dma_start3A_30 : memref<624x128xf32, #tpu.memory_space<hbm>>) target_semaphore(%run_scoped3A : memref<!tpu.dma_semaphore, #tpu.memory_space<semaphore_mem>>)
        %dma_wait3A = arith.constant 0 : i32
        %dma_wait3A_33 = tpu.memref_slice %arg4[%add3A, %mul3A_25, %dma_wait3A] : memref<10x10000x128xf32, #tpu.memory_space<hbm>> -> memref<1x624x128xf32, #tpu.memory_space<hbm>>
        %dma_wait3A_34 = tpu.memref_squeeze %dma_wait3A_33 : memref<1x624x128xf32, #tpu.memory_space<hbm>> -> memref<624x128xf32, #tpu.memory_space<hbm>>
        %dma_wait3A_35 = arith.constant 0 : i32
        %dma_wait3A_36 = tpu.memref_slice %arg5[%mul3A_23, %dma_wait3A_35] : memref<10240x128xf32, #tpu.memory_space<vmem_shared>> -> memref<624x128xf32, #tpu.memory_space<vmem_shared>>
        tpu.wait_dma2 semaphore(%run_scoped3A : memref<!tpu.dma_semaphore, #tpu.memory_space<semaphore_mem>>) src(%dma_wait3A_36 : memref<624x128xf32, #tpu.memory_space<vmem_shared>>) dst(%dma_wait3A_34 : memref<624x128xf32, #tpu.memory_space<hbm>>)
        tpu.yield
      }) : () -> ()
      %eq3A = arith.constant 15 : i32
      %eq3A_26 = arith.cmpi eq, %arg1, %eq3A : i32
      %convert_element_type3A = arith.extui %eq3A_26 : i1 to i32
      %cond3A = arith.constant 0 : i32
      %cond3A_27 = arith.cmpi ne, %convert_element_type3A, %cond3A : i32
      scf.if %cond3A_27 {
        "tpu.region"() ({
          %run_scoped3A = tpu.sem_alloc : memref<!tpu.dma_semaphore, #tpu.memory_space<semaphore_mem>>
          %dma_start3A = arith.constant 9984 : i32
          %dma_start3A_29 = arith.constant 0 : i32
          %dma_start3A_30 = tpu.memref_slice %arg4[%add3A, %dma_start3A, %dma_start3A_29] : memref<10x10000x128xf32, #tpu.memory_space<hbm>> -> memref<1x16x128xf32, #tpu.memory_space<hbm>>
          %dma_start3A_31 = tpu.memref_squeeze %dma_start3A_30 : memref<1x16x128xf32, #tpu.memory_space<hbm>> -> memref<16x128xf32, #tpu.memory_space<hbm>>
          %dma_start3A_32 = arith.constant 9984 : i32
          %dma_start3A_33 = arith.constant 0 : i32
          %dma_start3A_34 = tpu.memref_slice %arg5[%dma_start3A_32, %dma_start3A_33] : memref<10240x128xf32, #tpu.memory_space<vmem_shared>> -> memref<16x128xf32, #tpu.memory_space<vmem_shared>>
          tpu.enqueue_dma source(%dma_start3A_34 : memref<16x128xf32, #tpu.memory_space<vmem_shared>>) target(%dma_start3A_31 : memref<16x128xf32, #tpu.memory_space<hbm>>) target_semaphore(%run_scoped3A : memref<!tpu.dma_semaphore, #tpu.memory_space<semaphore_mem>>)
          %dma_wait3A = arith.constant 9984 : i32
          %dma_wait3A_35 = arith.constant 0 : i32
          %dma_wait3A_36 = tpu.memref_slice %arg4[%add3A, %dma_wait3A, %dma_wait3A_35] : memref<10x10000x128xf32, #tpu.memory_space<hbm>> -> memref<1x16x128xf32, #tpu.memory_space<hbm>>
          %dma_wait3A_37 = tpu.memref_squeeze %dma_wait3A_36 : memref<1x16x128xf32, #tpu.memory_space<hbm>> -> memref<16x128xf32, #tpu.memory_space<hbm>>
          %dma_wait3A_38 = arith.constant 9984 : i32
          %dma_wait3A_39 = arith.constant 0 : i32
          %dma_wait3A_40 = tpu.memref_slice %arg5[%dma_wait3A_38, %dma_wait3A_39] : memref<10240x128xf32, #tpu.memory_space<vmem_shared>> -> memref<16x128xf32, #tpu.memory_space<vmem_shared>>
          tpu.wait_dma2 semaphore(%run_scoped3A : memref<!tpu.dma_semaphore, #tpu.memory_space<semaphore_mem>>) src(%dma_wait3A_40 : memref<16x128xf32, #tpu.memory_space<vmem_shared>>) dst(%dma_wait3A_37 : memref<16x128xf32, #tpu.memory_space<hbm>>)
          tpu.yield
        }) : () -> ()
      } else {
      }
      %barrier3A_28 = arith.constant 0 : index
      tpu.barrier barrier_id(%barrier3A_28)
    }
    %scan3A_4 = arith.constant 5 : i32
    return
  }
}

</mosaic_0001>

<sc_bundles>
// kernel: _deg_run.3.cloned.1.call-start
scs
__scs_entry_jumppad:
0x0: {  	(pc) =	sbr.rel $0x88, $3  }
0x1: {  	(tag) =	ssettag $0x0;
	lr =	simm.s32 $0x1  }
0x2: {  	[smem:$0x3FA0] =	sst lr;
	_ =	strace $0xD0000000  }
0x3: {  	_ = 	snop  }
0x4: {  	_ = 	snop  }
0x5: {  	_ = 	snop  }
0x6: {  	_ = 	snop  }
0x7: {  	_ = 	snop  }
__scs_overlays_trampoline_lowered:
0x8: {  	[smem:$0x3FAF] =	sst s0  }
0x9: {  	[smem:$0x3FB0] =	sst s1  }
0xa: {  	[smem:$0x3FB1] =	sst s2  }
0xb: {  	[smem:$0x3FB2] =	sst s3  }
0xc: {  	[smem:$0x3FB3] =	sst s4  }
0xd: {  	[smem:$0x3FB4] =	sst s5  }
0xe: {  	[smem:$0x3FB5] =	sst s6  }
0xf: {  	[smem:$0x3FB6] =	sst s7  }
0x10: {  	[smem:$0x3FB7] =	sst s8  }
0x11: {  	[smem:$0x3FB8] =	sst s9;
	s0 =	simm.s32 @!p0 $0x0  }
0x12: {  	s1 =	sld [smem:$0x3F9E];
	s0 =	simm.s32 @p0 $0x1  }
0x13: {  	[smem:$0x3FB9] =	sst s0;
	s0 =	simm.s32 @!p1 $0x0  }
0x14: {  	s2 =	sld [smem:$0x3F9D];
	s0 =	simm.s32 @p1 $0x1  }
0x15: {  	[smem:$0x3FBA] =	sst s0;
	s0 =	simm.s32 @!p2 $0x0  }
0x16: {  	s3 =	sld [smem:$0x3FDB];
	s0 =	simm.s32 @p2 $0x1  }
0x17: {  	s4 =	simm.s32 $0x1BF5;
	[smem:$0x3FBC] =	sst s0  }
0x18: {  	s0 =	sld [smem:$0x3F9F];
	_ =	swait.ge [sflag:s4], $0x0  }
0x19: {  	s7 =	sld [smem:$0x3FA0]  }
0x1a: {  	s8 =	sadd.s32 $0xFFFFE003, lr  }
0x1b: {  	s9 =	sadd.s32 $0xFFFFFEF7, lr;
	s5 =	simm.s32 $0xFFFFFFFF;
	p2 =	slt.u32 s8, $0xFFFFF086  }
0x1c: {  	p1 =	slt.u32 s9, $0xF7A;
	s5 =	simm.s32 @!p2 $0x0  }
0x1d: {  	s5 =	simm.s32 @p1 $0x1;
	p0 =	seq.s32 s7, s2  }
0x1e: {  	s7 =	smul.u32 @!p0 $0xF7A, s2;
	p2 =	seq.s32 @!p0 s5, $0x0  }
0x1f: {  	s9 =	smul.u32 $0xF7A, s1;
	s8 =	simm.s32 @!p0 $0x1BF5;
	p2 =	por !p2, p0  }
0x20: {  	[sflag:s8] =	ssyncset.s32 @!p0 $0xFFFFF086;
	s6 =	sadd.s32 @!p0 s3, s7;
	s7 =	simm.s32 @!p0 $0x108  }
0x21: {  	s3 =	sadd.s32 s3, s9;
	s6 =	sadd.s32 @!p0 $0x88, s6;
	s7 =	simm.s32 @p2 $0x1082  }
0x22: {  	[simem:s7], [sflag:s8] =	dma.local @!p0 [hbm:s6], $0xF7A  }
0x23: {  	s9 =	sor.u32 $0xD0000000, s2;
	s6 =	simm.s32 $0x108;
	_ =	swait.ge @!p0 [sflag:s8], $0x0  }
0x24: {  	s3 =	sadd.s32 $0x88, s3;
	s6 =	simm.s32 @!p1 $0x1082;
	[sflag:s4] =	ssyncset.s32 $0xFFFFF086  }
0x25: {  	[simem:s6], [sflag:s4] =	dma.local [hbm:s3], $0xF7A  }
0x26: {  	[smem:$0x3FA0] =	sst s1;
	(tag) =	ssettag s2;
	_ =	strace s9  }
0x27: {  	s1 =	sld [smem:$0x3FB0]  }
0x28: {  	s2 =	sld [smem:$0x3FB1]  }
0x29: {  	s4 =	sld [smem:$0x3FB3]  }
0x2a: {  	p0 =	seq.s32 s5, $0x0;
	s5 =	sld [smem:$0x3FB4]  }
0x2b: {  	s6 =	sld [smem:$0x3FB5]  }
0x2c: {  	s7 =	sld [smem:$0x3FB6]  }
0x2d: {  	s3 =	simm.s32 $0x108;
	s8 =	sld [smem:$0x3FB7]  }
0x2e: {  	s3 =	simm.s32 @!p0 $0x1082;
	s9 =	sld [smem:$0x3FB8]  }
0x2f: {  	lr =	sadd.s32 s0, s3;
	s0 =	sld [smem:$0x3FAF]  }
0x30: {  	s3 =	sld [smem:$0x3FB2]  }
0x31: {  	[smem:$0x3FBB] =	sst s10  }
0x32: {  	s10 =	sld [smem:$0x3FB9];
	_ =	sdelay $0x3  }
0x33: {  	p0 =	seq.s32 s10, $0x1;
	s10 =	sld [smem:$0x3FBB];
	_ =	sdelay $0x3  }
0x34: {  	[smem:$0x3FBB] =	sst s10  }
0x35: {  	s10 =	sld [smem:$0x3FBA];
	_ =	sdelay $0x3  }
0x36: {  	p1 =	seq.s32 s10, $0x1;
	s10 =	sld [smem:$0x3FBB];
	_ =	sdelay $0x3  }
0x37: {  	[smem:$0x3FBB] =	sst s10  }
0x38: {  	s10 =	sld [smem:$0x3FBC]  }
0x39: {  	_ = 	snop;
	(pc) =	sbr.ind lr, $3  }
0x3a: {  	_ = 	snop  }
0x3b: {  	_ = 	snop  }
0x3c: {  	p2 =	seq.s32 s10, $0x1;
	s10 =	sld [smem:$0x3FBB]  }
0x3d: {  	_ =	shalt  }
0x3e: {  	_ =	shalt  }
0x3f: {  	_ =	shalt  }
0x40: {  	_ =	shalt  }
0x41: {  	_ =	shalt  }
0x42: {  	_ =	shalt  }
0x43: {  	_ =	shalt  }
0x44: {  	_ =	shalt  }
0x45: {  	_ =	shalt  }
0x46: {  	_ =	shalt  }
0x47: {  	_ =	shalt  }
0x48: {  	_ =	shalt  }
0x49: {  	_ =	shalt  }
0x4a: {  	_ =	shalt  }
0x4b: {  	_ =	shalt  }
0x4c: {  	_ =	shalt  }
0x4d: {  	_ =	shalt  }
0x4e: {  	_ =	shalt  }
0x4f: {  	_ =	shalt  }
0x50: {  	_ =	shalt  }
0x51: {  	_ =	shalt  }
0x52: {  	_ =	shalt  }
0x53: {  	_ =	shalt  }
0x54: {  	_ =	shalt  }
0x55: {  	_ =	shalt  }
0x56: {  	_ =	shalt  }
0x57: {  	_ =	shalt  }
0x58: {  	_ =	shalt  }
0x59: {  	_ =	shalt  }
0x5a: {  	_ =	shalt  }
0x5b: {  	_ =	shalt  }
0x5c: {  	_ =	shalt  }
0x5d: {  	_ =	shalt  }
0x5e: {  	_ =	shalt  }
0x5f: {  	_ =	shalt  }
0x60: {  	_ =	shalt  }
0x61: {  	_ =	shalt  }
0x62: {  	_ =	shalt  }
0x63: {  	_ =	shalt  }
0x64: {  	_ =	shalt  }
0x65: {  	_ =	shalt  }
0x66: {  	_ =	shalt  }
0x67: {  	_ =	shalt  }
0x68: {  	_ =	shalt  }
0x69: {  	_ =	shalt  }
0x6a: {  	_ =	shalt  }
0x6b: {  	_ =	shalt  }
0x6c: {  	_ =	shalt  }
0x6d: {  	_ =	shalt  }
0x6e: {  	_ =	shalt  }
0x6f: {  	_ =	shalt  }
0x70: {  	_ =	shalt  }
0x71: {  	_ =	shalt  }
0x72: {  	_ =	shalt  }
0x73: {  	_ =	shalt  }
0x74: {  	_ =	shalt  }
0x75: {  	_ =	shalt  }
0x76: {  	_ =	shalt  }
0x77: {  	_ =	shalt  }
0x78: {  	_ =	shalt  }
0x79: {  	_ =	shalt  }
0x7a: {  	_ =	shalt  }
0x7b: {  	_ =	shalt  }
0x7c: {  	_ =	shalt  }
0x7d: {  	_ =	shalt  }
0x7e: {  	_ =	shalt  }
0x7f: {  	_ =	shalt  }
0x80: {  	_ =	shalt  }
0x81: {  	_ =	shalt  }
0x82: {  	_ =	shalt  }
0x83: {  	_ =	shalt  }
0x84: {  	_ =	shalt  }
0x85: {  	_ =	shalt  }
0x86: {  	_ =	shalt  }
0x87: {  	_ =	shalt  }
.Lfunc_end0:
.L_simem_size_0:
called_computation_lowered:
.L_overlay_start_0:
0x88: {  	s2 =	sld [smem:$0x3FD9]  }
0x89: {  	s3 =	sld [smem:$0x3FFE];
	_ =	sdelay $0x1  }
0x8a: {  	s1 =	srdreg.scid  }
0x8b: {  	s0 =	sand.u32 $0x1, s1  }
0x8c: {  	s17 =	sshll.u32 s0, $0xA;
	s2 =	sadd.s32 s3, s2  }
0x8d: {  	s2 =	sadd.s32 s2, s17  }
0x8e: {  	[smem:$0x3FC7] =	sst s2  }
0x8f: {  	_ = 	snop  }
0x90: {  	s2 =	sld [smem:$0x3FD0];
	(tm) =	ssettm $0x1  }
0x91: {  	s18 =	sld [smem:$0x3FFB];
	_ =	sdelay $0x3  }
0x92: {  	_ =	strace s18  }
0x93: {  	s3 =	sld [smem:$0x3FFC];
	_ =	sdelay $0x3  }
0x94: {  	_ =	strace s3  }
0x95: {  	s3 =	sld [smem:$0x3FFD];
	_ =	sdelay $0x3  }
0x96: {  	_ =	strace s3  }
0x97: {  	_ =	strace $0x8FFFFFFF  }
0x98: {  	s19 =	sld [smem:$0x3FDB];
	_ =	sdelay $0x1  }
0x99: {  	s4 =	simm.s32 $_scs_section_size  }
0x9a: {  	s5 =	simm.s32 $_size__tile_overlayer_lowered;
	s6 =	simm.s32 $_tile_overlayer_lowered  }
0x9b: {  	s22 =	simm.s32 $0x1BFF;
	s21 =	sshll.u32 s6, $0x1;
	s3 =	sadd.s32 s4, s19  }
0x9c: {  	s7 =	simm.s32 $0x0;
	s20 =	sshll.u32 s5, $0x1;
	s5 =	sadd.s32 s21, s3  }
0x9d: {  	[timem:s7], [sflag:s22] =	dma.local [hbm:s5], s20  }
0x9e: {  	_ =	swait.ge [sflag:s22], s20  }
0x9f: {  	s4 =	ssub.s32 $0x0, s20;
	[sflag:s22] =	ssyncset.done $0x0  }
0xa0: {  	[sflag:s22] =	ssyncadd.s32 s4;
	_ =	sdelay $0x1  }
0xa1: {  	s23 =	simm.s32 $0x1B8B  }
0xa2: {  	_ =	swait.ge [sflag:s23], $0x1  }
0xa3: {  	[sflag:s23] =	ssyncset.done $0x0  }
0xa4: {  	s25 =	simm.s32 $0x1B8E;
	s24 =	sld [smem:$0x3FFE];
	[sflag:s23] =	ssyncadd.s32 $0xFFFFFFFF  }
0xa5: {  	s26 =	simm.s32 $execute0_lowered;
	[smem:$0x3FD2] =	sst s25  }
0xa6: {  	s5 =	sshll.u32 s26, $0x1;
	_ =	strace $0x80000046;
	[dreg:$0x1] =	wrdreg $0xFFFFFFFF  }
0xa7: {  	s28 =	simm.s32 $_size_execute0_lowered;
	s3 =	sadd.s32 s3, s5;
	[dreg:$0x0] =	wrdreg $0x0  }
0xa8: {  	s5 =	sshll.u32 s28, $0x1;
	[dreg:$0x2] =	wrdreg s3  }
0xa9: {  	[dreg:$0x3] =	wrdreg s5  }
0xaa: {  	[dreg:$0x4] =	wrdreg $0xC0  }
0xab: {  	_ =	task [dreg:s7], $0x5FFFF  }
0xac: {  	[dreg:$0x1] =	wrdreg $0xFFFFFFFF  }
0xad: {  	[dreg:$0x0] =	wrdreg $0x60  }
0xae: {  	[dreg:$0x2] =	wrdreg s24  }
0xaf: {  	[dreg:$0x3] =	wrdreg s2  }
0xb0: {  	[dreg:$0x4] =	wrdreg $0x0  }
0xb1: {  	[dreg:$0x5] =	wrdreg $0x9  }
0xb2: {  	_ =	task.clear_ibuf [dreg:s7], $0x6FFFF;
	_ =	strace $0x90000046  }
0xb3: {  	s29 =	simm.s32 $0x9;
	_ =	strace $0x80000048  }
0xb4: {  	_ =	swait.ge [sflag:s29], $0x1  }
0xb5: {  	[sflag:s29] =	ssyncadd.s32 $0xFFFFFFFF  }
0xb6: {  	_ =	strace $0x90000048  }
0xb7: {  	_ =	sfence  }
0xb8: {  	s30 =	sld [smem:$0x0];
	_ =	sdelay $0x2  }
0xb9: {  	s31 =	sshll.u32 s1, $0xD;
	s1 =	sshrl.u32 s1, $0x2  }
0xba: {  	s3 =	sand.u32 $0x4000, s31;
	s1 =	sadd.s32 s1, s30  }
0xbb: {  	s0 =	sor.u32 s3, s0;
	s1 =	sshll.u32 s1, $0x11  }
0xbc: {  	s0 =	sor.u32 s1, s0  }
0xbd: {  	s0 =	sadd.s32 $0x8F2B, s0  }
0xbe: {  	[sflag:s0] =	ssyncadd.remote.s32 $0x1  }
0xbf: {  	_ =	sfence.sel $0xFFFF  }
0xc0: {  	[dreg:$0x0] =	wrdreg $0xFFFFFFFF;
	(pc) =	sbr.abs _section_cstart, $3  }
0xc1: {  	[dreg:$0x1] =	wrdreg $0xFFFFFFFF  }
0xc2: {  	_ =	task.clear_ibuf [dreg:s7], $0x2FFFF;
	_ =	strace $0x9FFFFFFF  }
0xc3: {  	(tm) =	ssettm $0x7FFFFFFF  }
tec
execute0_lowered:
.L_overlay_start_1:
0x0: {  	(tag) =	ssettag $0x1  }
0x1: {  	s6 =	rddreg [dreg:$0x0]  }
0x2: {  	s4 =	rddreg [dreg:$0x2];
	s0 =	srdreg.scid;
	s1 =	simm.s32 $0x0  }
0x3: {  	s10 =	stileid.u32;
	s11 =	simm.s32 $0x16800;
	s12 =	simm.s32 $0x2  }
0x4: {  	s15 =	simm.s32 $0x14000;
	s16 =	simm.s32 $0x80;
	s17 =	simm.s32 $0x16480  }
0x5: {  	s18 =	simm.s32 $0x16500;
	s19 =	simm.s32 $0x16580;
	s20 =	simm.s32 $0x16600  }
0x6: {  	s21 =	simm.s32 $0x16680;
	s22 =	simm.s32 $0x16700;
	s2 =	smul.u32 $0x50000, s10  }
0x7: {  	s23 =	simm.s32 $0x16780;
	s29 =	simm.s32 $0x0;
	s5 =	smul.u32 $0x4E000, s10  }
0x8: {  	s0 =	sand.u32 $0x1, s0;
	[smem:$0x7FF] =	sst s1;
	s8 =	smul.u32 $0x2800, s10  }
0x9: {  	s6 =	sadd.s32 $0x32000, s6;
	s9 =	smul.u32 $0x13800, s10;
	s31 =	sshll.u32 s10, $0x6  }
0xa: {  	p0 =	sne.s32 s10, $0xF;
	s10 =	simm.s32 $0x16280;
	s26 =	ssub.s32 $0x2, s0  }
0xb: {  	_ =	strace $0x80000047;
	s7 =	smul.u32 $0x5, s0;
	s13 =	sor.u32 $0x1C02, s31  }
0xc: {  	s3 =	sshrl.u32 s26, $0x1;
	s28 =	sshrl.u32 s2, $0x2;
	s30 =	sshrl.u32 s5, $0x2  }
0xd: {  	s5 =	simm.s32 $0x16400;
	s1 =	ssub.s32 s26, s3;
	s0 =	sadd.s32 s28, s4  }
0xe: {  	s2 =	sadd.s32 s30, s4;
	s3 =	sadd.s32 $0x138000, s4;
	s26 =	simm.s32 $0x1  }
0xf: {  	s1 =	smax.u32 s1, $0x1;
	s14 =	sshrl.u32 s0, $0x3;
	s24 =	sshrl.u32 s2, $0x3  }
0x10: {  	s25 =	sshrl.u32 @!p0 s3, $0x3;
	s0 =	simm.s32 $0x16180;
	s3 =	simm.s32 $0x16200  }
0x11: {  	s2 =	simm.s32 $0x16380;
	[dreg:$0x4] =	wrdreg s1;
	s1 =	simm.s32 $0x16300  }
.LBB2_1:
0x12: {  	[dreg:$0x5] =	wrdreg s29  }
0x13: {  	s28 =	rddreg [dreg:$0x1];
	s31 =	simm.s32 $0x0  }
0x14: {  	[tilespmem:s11], [sflag:$0x2] =	stream.linear.gather [hbm4b:s28+s31], $0x4000, $0x38;
	[tilespmem:$0x1A800] =	vst v63  }
0x15: {  	_ =	swait.ge [sflag:s12], $0x4000  }
0x16: {  	[sflag:s12] =	ssyncset.done $0x0  }
0x17: {  	s28 =	simm.s32 $0x0;
	[sflag:s12] =	ssyncadd.s32 $0xFFFFC000  }
.LBB2_2:
0x18: {  	s29 =	sadd.s32 s7, s28;
	s31 =	rddreg [dreg:$0x1]  }
0x19: {  	[spmem:s14], [sflag:s13] =	dma.local [hbm:s31], $0x2800  }
0x1a: {  	s30 =	smul.u32 $0x28000, s29;
	_ =	swait.ge [sflag:s12], $0x2800  }
0x1b: {  	[sflag:s12] =	ssyncset.done $0x0  }
0x1c: {  	s30 =	sadd.s32 s8, s30;
	[sflag:s12] =	ssyncadd.s32 $0xFFFFD800  }
0x1d: {  	s30 =	sshrl.u32 s30, $0x3;
	s31 =	rddreg [dreg:$0x0]  }
0x1e: {  	s30 =	sadd.s32 s31, s30;
	s31 =	simm.s32 $0x0  }
0x1f: {  	[tilespmem:s15], [sflag:$0x2] =	stream.linear.gather [hbm4b:s30+s31], $0x2800, $0x38;
	[tilespmem:$0x1A800] =	vst v63  }
0x20: {  	_ =	swait.ge [sflag:s12], $0x2800  }
0x21: {  	[sflag:s12] =	ssyncset.done $0x0  }
0x22: {  	[sflag:s12] =	ssyncadd.s32 $0xFFFFD800  }
0x23: {  	[bflag:$0x0] =	sbarrier.arrive $0xFFFF  }
0x24: {  	[spmem:s4] =	stream.indirect.scatter.add.f32 [tilespmem:s11], [sflag:$0x1], $0x80, s15, s16, $0xb8;
	[tilespmem:$0x1A800] =	vst v63  }
0x25: {  	s30 =	simm.s32 $0x14080  }
0x26: {  	[spmem:s4] =	stream.indirect.scatter.add.f32 [tilespmem:s11], [sflag:$0x1], $0x80, s30, s16, $0xb8;
	[tilespmem:$0x1A800] =	vst v63  }
0x27: {  	s30 =	simm.s32 $0x14100  }
0x28: {  	[spmem:s4] =	stream.indirect.scatter.add.f32 [tilespmem:s11], [sflag:$0x1], $0x80, s30, s16, $0xb8;
	[tilespmem:$0x1A800] =	vst v63  }
0x29: {  	s30 =	simm.s32 $0x14180  }
0x2a: {  	[spmem:s4] =	stream.indirect.scatter.add.f32 [tilespmem:s11], [sflag:$0x1], $0x80, s30, s16, $0xb8;
	[tilespmem:$0x1A800] =	vst v63  }
0x2b: {  	s30 =	simm.s32 $0x14200  }
0x2c: {  	[spmem:s4] =	stream.indirect.scatter.add.f32 [tilespmem:s11], [sflag:$0x1], $0x80, s30, s16, $0xb8;
	[tilespmem:$0x1A800] =	vst v63  }
0x2d: {  	s30 =	simm.s32 $0x14280  }
0x2e: {  	[spmem:s4] =	stream.indirect.scatter.add.f32 [tilespmem:s11], [sflag:$0x1], $0x80, s30, s16, $0xb8;
	[tilespmem:$0x1A800] =	vst v63  }
0x2f: {  	s30 =	simm.s32 $0x14300  }
0x30: {  	[spmem:s4] =	stream.indirect.scatter.add.f32 [tilespmem:s11], [sflag:$0x1], $0x80, s30, s16, $0xb8;
	[tilespmem:$0x1A800] =	vst v63  }
0x31: {  	s30 =	simm.s32 $0x14380  }
0x32: {  	[spmem:s4] =	stream.indirect.scatter.add.f32 [tilespmem:s11], [sflag:$0x1], $0x80, s30, s16, $0xb8;
	[tilespmem:$0x1A800] =	vst v63  }
0x33: {  	s30 =	simm.s32 $0x14400  }
0x34: {  	[spmem:s4] =	stream.indirect.scatter.add.f32 [tilespmem:s11], [sflag:$0x1], $0x80, s30, s16, $0xb8;
	[tilespmem:$0x1A800] =	vst v63  }
0x35: {  	s30 =	simm.s32 $0x14480  }
0x36: {  	[spmem:s4] =	stream.indirect.scatter.add.f32 [tilespmem:s11], [sflag:$0x1], $0x80, s30, s16, $0xb8;
	[tilespmem:$0x1A800] =	vst v63  }
0x37: {  	s30 =	simm.s32 $0x14500  }
0x38: {  	[spmem:s4] =	stream.indirect.scatter.add.f32 [tilespmem:s11], [sflag:$0x1], $0x80, s30, s16, $0xb8;
	[tilespmem:$0x1A800] =	vst v63  }
0x39: {  	s30 =	simm.s32 $0x14580  }
0x3a: {  	[spmem:s4] =	stream.indirect.scatter.add.f32 [tilespmem:s11], [sflag:$0x1], $0x80, s30, s16, $0xb8;
	[tilespmem:$0x1A800] =	vst v63  }
0x3b: {  	s30 =	simm.s32 $0x14600  }
0x3c: {  	[spmem:s4] =	stream.indirect.scatter.add.f32 [tilespmem:s11], [sflag:$0x1], $0x80, s30, s16, $0xb8;
	[tilespmem:$0x1A800] =	vst v63  }
0x3d: {  	s30 =	simm.s32 $0x14680  }
0x3e: {  	[spmem:s4] =	stream.indirect.scatter.add.f32 [tilespmem:s11], [sflag:$0x1], $0x80, s30, s16, $0xb8;
	[tilespmem:$0x1A800] =	vst v63  }
0x3f: {  	s30 =	simm.s32 $0x14700  }
0x40: {  	[spmem:s4] =	stream.indirect.scatter.add.f32 [tilespmem:s11], [sflag:$0x1], $0x80, s30, s16, $0xb8;
	[tilespmem:$0x1A800] =	vst v63  }
0x41: {  	s30 =	simm.s32 $0x14780  }
0x42: {  	[spmem:s4] =	stream.indirect.scatter.add.f32 [tilespmem:s11], [sflag:$0x1], $0x80, s30, s16, $0xb8;
	[tilespmem:$0x1A800] =	vst v63  }
0x43: {  	s30 =	simm.s32 $0x14800  }
0x44: {  	[spmem:s4] =	stream.indirect.scatter.add.f32 [tilespmem:s11], [sflag:$0x1], $0x80, s30, s16, $0xb8;
	[tilespmem:$0x1A800] =	vst v63  }
0x45: {  	s30 =	simm.s32 $0x14880  }
0x46: {  	[spmem:s4] =	stream.indirect.scatter.add.f32 [tilespmem:s11], [sflag:$0x1], $0x80, s30, s16, $0xb8;
	[tilespmem:$0x1A800] =	vst v63  }
0x47: {  	s30 =	simm.s32 $0x14900  }
0x48: {  	[spmem:s4] =	stream.indirect.scatter.add.f32 [tilespmem:s11], [sflag:$0x1], $0x80, s30, s16, $0xb8;
	[tilespmem:$0x1A800] =	vst v63  }
0x49: {  	s30 =	simm.s32 $0x14980  }
0x4a: {  	[spmem:s4] =	stream.indirect.scatter.add.f32 [tilespmem:s11], [sflag:$0x1], $0x80, s30, s16, $0xb8;
	[tilespmem:$0x1A800] =	vst v63  }
0x4b: {  	s30 =	simm.s32 $0x14A00  }
0x4c: {  	[spmem:s4] =	stream.indirect.scatter.add.f32 [tilespmem:s11], [sflag:$0x1], $0x80, s30, s16, $0xb8;
	[tilespmem:$0x1A800] =	vst v63  }
0x4d: {  	s30 =	simm.s32 $0x14A80  }
0x4e: {  	[spmem:s4] =	stream.indirect.scatter.add.f32 [tilespmem:s11], [sflag:$0x1], $0x80, s30, s16, $0xb8;
	[tilespmem:$0x1A800] =	vst v63  }
0x4f: {  	s30 =	simm.s32 $0x14B00  }
0x50: {  	[spmem:s4] =	stream.indirect.scatter.add.f32 [tilespmem:s11], [sflag:$0x1], $0x80, s30, s16, $0xb8;
	[tilespmem:$0x1A800] =	vst v63  }
0x51: {  	s30 =	simm.s32 $0x14B80  }
0x52: {  	[spmem:s4] =	stream.indirect.scatter.add.f32 [tilespmem:s11], [sflag:$0x1], $0x80, s30, s16, $0xb8;
	[tilespmem:$0x1A800] =	vst v63  }
0x53: {  	s30 =	simm.s32 $0x14C00  }
0x54: {  	[spmem:s4] =	stream.indirect.scatter.add.f32 [tilespmem:s11], [sflag:$0x1], $0x80, s30, s16, $0xb8;
	[tilespmem:$0x1A800] =	vst v63  }
0x55: {  	s30 =	simm.s32 $0x14C80  }
0x56: {  	[spmem:s4] =	stream.indirect.scatter.add.f32 [tilespmem:s11], [sflag:$0x1], $0x80, s30, s16, $0xb8;
	[tilespmem:$0x1A800] =	vst v63  }
0x57: {  	s30 =	simm.s32 $0x14D00  }
0x58: {  	[spmem:s4] =	stream.indirect.scatter.add.f32 [tilespmem:s11], [sflag:$0x1], $0x80, s30, s16, $0xb8;
	[tilespmem:$0x1A800] =	vst v63  }
0x59: {  	s30 =	simm.s32 $0x14D80  }
0x5a: {  	[spmem:s4] =	stream.indirect.scatter.add.f32 [tilespmem:s11], [sflag:$0x1], $0x80, s30, s16, $0xb8;
	[tilespmem:$0x1A800] =	vst v63  }
0x5b: {  	s30 =	simm.s32 $0x14E00  }
0x5c: {  	[spmem:s4] =	stream.indirect.scatter.add.f32 [tilespmem:s11], [sflag:$0x1], $0x80, s30, s16, $0xb8;
	[tilespmem:$0x1A800] =	vst v63  }
0x5d: {  	s30 =	simm.s32 $0x14E80  }
0x5e: {  	[spmem:s4] =	stream.indirect.scatter.add.f32 [tilespmem:s11], [sflag:$0x1], $0x80, s30, s16, $0xb8;
	[tilespmem:$0x1A800] =	vst v63  }
0x5f: {  	s30 =	simm.s32 $0x14F00  }
0x60: {  	[spmem:s4] =	stream.indirect.scatter.add.f32 [tilespmem:s11], [sflag:$0x1], $0x80, s30, s16, $0xb8;
	[tilespmem:$0x1A800] =	vst v63  }
0x61: {  	s30 =	simm.s32 $0x14F80  }
0x62: {  	[spmem:s4] =	stream.indirect.scatter.add.f32 [tilespmem:s11], [sflag:$0x1], $0x80, s30, s16, $0xb8;
	[tilespmem:$0x1A800] =	vst v63  }
0x63: {  	s30 =	simm.s32 $0x15000  }
0x64: {  	[spmem:s4] =	stream.indirect.scatter.add.f32 [tilespmem:s11], [sflag:$0x1], $0x80, s30, s16, $0xb8;
	[tilespmem:$0x1A800] =	vst v63  }
0x65: {  	s30 =	simm.s32 $0x15080  }
0x66: {  	[spmem:s4] =	stream.indirect.scatter.add.f32 [tilespmem:s11], [sflag:$0x1], $0x80, s30, s16, $0xb8;
	[tilespmem:$0x1A800] =	vst v63  }
0x67: {  	s30 =	simm.s32 $0x15100  }
0x68: {  	[spmem:s4] =	stream.indirect.scatter.add.f32 [tilespmem:s11], [sflag:$0x1], $0x80, s30, s16, $0xb8;
	[tilespmem:$0x1A800] =	vst v63  }
0x69: {  	s30 =	simm.s32 $0x15180  }
0x6a: {  	[spmem:s4] =	stream.indirect.scatter.add.f32 [tilespmem:s11], [sflag:$0x1], $0x80, s30, s16, $0xb8;
	[tilespmem:$0x1A800] =	vst v63  }
0x6b: {  	s30 =	simm.s32 $0x15200  }
0x6c: {  	[spmem:s4] =	stream.indirect.scatter.add.f32 [tilespmem:s11], [sflag:$0x1], $0x80, s30, s16, $0xb8;
	[tilespmem:$0x1A800] =	vst v63  }
0x6d: {  	s30 =	simm.s32 $0x15280  }
0x6e: {  	[spmem:s4] =	stream.indirect.scatter.add.f32 [tilespmem:s11], [sflag:$0x1], $0x80, s30, s16, $0xb8;
	[tilespmem:$0x1A800] =	vst v63  }
0x6f: {  	s30 =	simm.s32 $0x15300  }
0x70: {  	[spmem:s4] =	stream.indirect.scatter.add.f32 [tilespmem:s11], [sflag:$0x1], $0x80, s30, s16, $0xb8;
	[tilespmem:$0x1A800] =	vst v63  }
0x71: {  	s30 =	simm.s32 $0x15380  }
0x72: {  	[spmem:s4] =	stream.indirect.scatter.add.f32 [tilespmem:s11], [sflag:$0x1], $0x80, s30, s16, $0xb8;
	[tilespmem:$0x1A800] =	vst v63  }
0x73: {  	s30 =	simm.s32 $0x15400  }
0x74: {  	[spmem:s4] =	stream.indirect.scatter.add.f32 [tilespmem:s11], [sflag:$0x1], $0x80, s30, s16, $0xb8;
	[tilespmem:$0x1A800] =	vst v63  }
0x75: {  	s30 =	simm.s32 $0x15480  }
0x76: {  	[spmem:s4] =	stream.indirect.scatter.add.f32 [tilespmem:s11], [sflag:$0x1], $0x80, s30, s16, $0xb8;
	[tilespmem:$0x1A800] =	vst v63  }
0x77: {  	s30 =	simm.s32 $0x15500  }
0x78: {  	[spmem:s4] =	stream.indirect.scatter.add.f32 [tilespmem:s11], [sflag:$0x1], $0x80, s30, s16, $0xb8;
	[tilespmem:$0x1A800] =	vst v63  }
0x79: {  	s30 =	simm.s32 $0x15580  }
0x7a: {  	[spmem:s4] =	stream.indirect.scatter.add.f32 [tilespmem:s11], [sflag:$0x1], $0x80, s30, s16, $0xb8;
	[tilespmem:$0x1A800] =	vst v63  }
0x7b: {  	s30 =	simm.s32 $0x15600  }
0x7c: {  	[spmem:s4] =	stream.indirect.scatter.add.f32 [tilespmem:s11], [sflag:$0x1], $0x80, s30, s16, $0xb8;
	[tilespmem:$0x1A800] =	vst v63  }
0x7d: {  	s30 =	simm.s32 $0x15680  }
0x7e: {  	[spmem:s4] =	stream.indirect.scatter.add.f32 [tilespmem:s11], [sflag:$0x1], $0x80, s30, s16, $0xb8;
	[tilespmem:$0x1A800] =	vst v63  }
0x7f: {  	s30 =	simm.s32 $0x15700  }
0x80: {  	[spmem:s4] =	stream.indirect.scatter.add.f32 [tilespmem:s11], [sflag:$0x1], $0x80, s30, s16, $0xb8;
	[tilespmem:$0x1A800] =	vst v63  }
0x81: {  	s30 =	simm.s32 $0x15780  }
0x82: {  	[spmem:s4] =	stream.indirect.scatter.add.f32 [tilespmem:s11], [sflag:$0x1], $0x80, s30, s16, $0xb8;
	[tilespmem:$0x1A800] =	vst v63  }
0x83: {  	s30 =	simm.s32 $0x15800  }
0x84: {  	[spmem:s4] =	stream.indirect.scatter.add.f32 [tilespmem:s11], [sflag:$0x1], $0x80, s30, s16, $0xb8;
	[tilespmem:$0x1A800] =	vst v63  }
0x85: {  	s30 =	simm.s32 $0x15880  }
0x86: {  	[spmem:s4] =	stream.indirect.scatter.add.f32 [tilespmem:s11], [sflag:$0x1], $0x80, s30, s16, $0xb8;
	[tilespmem:$0x1A800] =	vst v63  }
0x87: {  	s30 =	simm.s32 $0x15900  }
0x88: {  	[spmem:s4] =	stream.indirect.scatter.add.f32 [tilespmem:s11], [sflag:$0x1], $0x80, s30, s16, $0xb8;
	[tilespmem:$0x1A800] =	vst v63  }
0x89: {  	s30 =	simm.s32 $0x15980  }
0x8a: {  	[spmem:s4] =	stream.indirect.scatter.add.f32 [tilespmem:s11], [sflag:$0x1], $0x80, s30, s16, $0xb8;
	[tilespmem:$0x1A800] =	vst v63  }
0x8b: {  	s30 =	simm.s32 $0x15A00  }
0x8c: {  	[spmem:s4] =	stream.indirect.scatter.add.f32 [tilespmem:s11], [sflag:$0x1], $0x80, s30, s16, $0xb8;
	[tilespmem:$0x1A800] =	vst v63  }
0x8d: {  	s30 =	simm.s32 $0x15A80  }
0x8e: {  	[spmem:s4] =	stream.indirect.scatter.add.f32 [tilespmem:s11], [sflag:$0x1], $0x80, s30, s16, $0xb8;
	[tilespmem:$0x1A800] =	vst v63  }
0x8f: {  	s30 =	simm.s32 $0x15B00  }
0x90: {  	[spmem:s4] =	stream.indirect.scatter.add.f32 [tilespmem:s11], [sflag:$0x1], $0x80, s30, s16, $0xb8;
	[tilespmem:$0x1A800] =	vst v63  }
0x91: {  	s30 =	simm.s32 $0x15B80  }
0x92: {  	[spmem:s4] =	stream.indirect.scatter.add.f32 [tilespmem:s11], [sflag:$0x1], $0x80, s30, s16, $0xb8;
	[tilespmem:$0x1A800] =	vst v63  }
0x93: {  	s30 =	simm.s32 $0x15C00  }
0x94: {  	[spmem:s4] =	stream.indirect.scatter.add.f32 [tilespmem:s11], [sflag:$0x1], $0x80, s30, s16, $0xb8;
	[tilespmem:$0x1A800] =	vst v63  }
0x95: {  	s30 =	simm.s32 $0x15C80  }
0x96: {  	[spmem:s4] =	stream.indirect.scatter.add.f32 [tilespmem:s11], [sflag:$0x1], $0x80, s30, s16, $0xb8;
	[tilespmem:$0x1A800] =	vst v63  }
0x97: {  	s30 =	simm.s32 $0x15D00  }
0x98: {  	[spmem:s4] =	stream.indirect.scatter.add.f32 [tilespmem:s11], [sflag:$0x1], $0x80, s30, s16, $0xb8;
	[tilespmem:$0x1A800] =	vst v63  }
0x99: {  	s30 =	simm.s32 $0x15D80  }
0x9a: {  	[spmem:s4] =	stream.indirect.scatter.add.f32 [tilespmem:s11], [sflag:$0x1], $0x80, s30, s16, $0xb8;
	[tilespmem:$0x1A800] =	vst v63  }
0x9b: {  	s30 =	simm.s32 $0x15E00  }
0x9c: {  	[spmem:s4] =	stream.indirect.scatter.add.f32 [tilespmem:s11], [sflag:$0x1], $0x80, s30, s16, $0xb8;
	[tilespmem:$0x1A800] =	vst v63  }
0x9d: {  	s30 =	simm.s32 $0x15E80  }
0x9e: {  	[spmem:s4] =	stream.indirect.scatter.add.f32 [tilespmem:s11], [sflag:$0x1], $0x80, s30, s16, $0xb8;
	[tilespmem:$0x1A800] =	vst v63  }
0x9f: {  	s30 =	simm.s32 $0x15F00  }
0xa0: {  	[spmem:s4] =	stream.indirect.scatter.add.f32 [tilespmem:s11], [sflag:$0x1], $0x80, s30, s16, $0xb8;
	[tilespmem:$0x1A800] =	vst v63  }
0xa1: {  	s30 =	simm.s32 $0x15F80  }
0xa2: {  	[spmem:s4] =	stream.indirect.scatter.add.f32 [tilespmem:s11], [sflag:$0x1], $0x80, s30, s16, $0xb8;
	[tilespmem:$0x1A800] =	vst v63  }
0xa3: {  	s30 =	simm.s32 $0x16000  }
0xa4: {  	[spmem:s4] =	stream.indirect.scatter.add.f32 [tilespmem:s11], [sflag:$0x1], $0x80, s30, s16, $0xb8;
	[tilespmem:$0x1A800] =	vst v63  }
0xa5: {  	s30 =	simm.s32 $0x16080  }
0xa6: {  	[spmem:s4] =	stream.indirect.scatter.add.f32 [tilespmem:s11], [sflag:$0x1], $0x80, s30, s16, $0xb8;
	[tilespmem:$0x1A800] =	vst v63  }
0xa7: {  	s30 =	simm.s32 $0x16100  }
0xa8: {  	[spmem:s4] =	stream.indirect.scatter.add.f32 [tilespmem:s11], [sflag:$0x1], $0x80, s30, s16, $0xb8;
	[tilespmem:$0x1A800] =	vst v63  }
0xa9: {  	_ = 	snop  }
0xaa: {  	[spmem:s4] =	stream.indirect.scatter.add.f32 [tilespmem:s11], [sflag:$0x1], $0x80, s0, s16, $0xb8;
	[tilespmem:$0x1A800] =	vst v63  }
0xab: {  	_ = 	snop  }
0xac: {  	[spmem:s4] =	stream.indirect.scatter.add.f32 [tilespmem:s11], [sflag:$0x1], $0x80, s3, s16, $0xb8;
	[tilespmem:$0x1A800] =	vst v63  }
0xad: {  	_ = 	snop  }
0xae: {  	[spmem:s4] =	stream.indirect.scatter.add.f32 [tilespmem:s11], [sflag:$0x1], $0x80, s10, s16, $0xb8;
	[tilespmem:$0x1A800] =	vst v63  }
0xaf: {  	_ = 	snop  }
0xb0: {  	[spmem:s4] =	stream.indirect.scatter.add.f32 [tilespmem:s11], [sflag:$0x1], $0x80, s1, s16, $0xb8;
	[tilespmem:$0x1A800] =	vst v63  }
0xb1: {  	_ = 	snop  }
0xb2: {  	[spmem:s4] =	stream.indirect.scatter.add.f32 [tilespmem:s11], [sflag:$0x1], $0x80, s2, s16, $0xb8;
	[tilespmem:$0x1A800] =	vst v63  }
0xb3: {  	_ = 	snop  }
0xb4: {  	[spmem:s4] =	stream.indirect.scatter.add.f32 [tilespmem:s11], [sflag:$0x1], $0x80, s5, s16, $0xb8;
	[tilespmem:$0x1A800] =	vst v63  }
0xb5: {  	_ = 	snop  }
0xb6: {  	[spmem:s4] =	stream.indirect.scatter.add.f32 [tilespmem:s11], [sflag:$0x1], $0x80, s17, s16, $0xb8;
	[tilespmem:$0x1A800] =	vst v63  }
0xb7: {  	_ = 	snop  }
0xb8: {  	[spmem:s4] =	stream.indirect.scatter.add.f32 [tilespmem:s11], [sflag:$0x1], $0x80, s18, s16, $0xb8;
	[tilespmem:$0x1A800] =	vst v63  }
0xb9: {  	_ = 	snop  }
0xba: {  	[spmem:s4] =	stream.indirect.scatter.add.f32 [tilespmem:s11], [sflag:$0x1], $0x80, s19, s16, $0xb8;
	[tilespmem:$0x1A800] =	vst v63  }
0xbb: {  	_ = 	snop  }
0xbc: {  	[spmem:s4] =	stream.indirect.scatter.add.f32 [tilespmem:s11], [sflag:$0x1], $0x80, s20, s16, $0xb8;
	[tilespmem:$0x1A800] =	vst v63  }
0xbd: {  	_ = 	snop  }
0xbe: {  	[spmem:s4] =	stream.indirect.scatter.add.f32 [tilespmem:s11], [sflag:$0x1], $0x80, s21, s16, $0xb8;
	[tilespmem:$0x1A800] =	vst v63  }
0xbf: {  	_ = 	snop  }
0xc0: {  	[spmem:s4] =	stream.indirect.scatter.add.f32 [tilespmem:s11], [sflag:$0x1], $0x80, s22, s16, $0xb8;
	[tilespmem:$0x1A800] =	vst v63  }
0xc1: {  	_ = 	snop  }
0xc2: {  	[spmem:s4] =	stream.indirect.scatter.add.f32 [tilespmem:s11], [sflag:$0x1], $0x80, s23, s16, $0xb8;
	[tilespmem:$0x1A800] =	vst v63  }
0xc3: {  	_ =	swait.ge [sflag:s26], $0x4000  }
0xc4: {  	[sflag:s26] =	ssyncset.done $0x0  }
0xc5: {  	[sflag:s26] =	ssyncadd.s32 $0xFFFFC000  }
0xc6: {  	_ =	swait.ge [sflag:s26], $0x4000  }
0xc7: {  	[sflag:s26] =	ssyncset.done $0x0  }
0xc8: {  	[sflag:s26] =	ssyncadd.s32 $0xFFFFC000  }
0xc9: {  	_ =	swait.ge [sflag:s26], $0x4000  }
0xca: {  	[sflag:s26] =	ssyncset.done $0x0  }
0xcb: {  	[sflag:s26] =	ssyncadd.s32 $0xFFFFC000  }
0xcc: {  	_ =	swait.ge [sflag:s26], $0x4000  }
0xcd: {  	[sflag:s26] =	ssyncset.done $0x0  }
0xce: {  	[sflag:s26] =	ssyncadd.s32 $0xFFFFC000  }
0xcf: {  	_ =	swait.ge [sflag:s26], $0x4000  }
0xd0: {  	[sflag:s26] =	ssyncset.done $0x0  }
0xd1: {  	[sflag:s26] =	ssyncadd.s32 $0xFFFFC000  }
0xd2: {  	_ =	swait.ge [sflag:s26], $0x4000  }
0xd3: {  	[sflag:s26] =	ssyncset.done $0x0  }
0xd4: {  	[sflag:s26] =	ssyncadd.s32 $0xFFFFC000  }
0xd5: {  	_ =	swait.ge [sflag:s26], $0x4000  }
0xd6: {  	[sflag:s26] =	ssyncset.done $0x0  }
0xd7: {  	[sflag:s26] =	ssyncadd.s32 $0xFFFFC000  }
0xd8: {  	_ =	swait.ge [sflag:s26], $0x4000  }
0xd9: {  	s30 =	simm.s32 $0x9;
	[sflag:s26] =	ssyncset.done $0x0  }
.LBB2_3:
0xda: {  	p1 =	sne.s32 s30, $0x1;
	s30 =	sadd.s32 $0xFFFFFFFF, s30;
	[sflag:s26] =	ssyncadd.s32 $0xFFFFC000  }
0xdb: {  	_ =	swait.ge [sflag:s26], $0x4000  }
0xdc: {  	[sflag:s26] =	ssyncset.done $0x0  }
0xdd: {  	[sflag:s26] =	ssyncadd.s32 $0xFFFFC000  }
0xde: {  	_ =	swait.ge [sflag:s26], $0x4000  }
0xdf: {  	[sflag:s26] =	ssyncset.done $0x0  }
0xe0: {  	[sflag:s26] =	ssyncadd.s32 $0xFFFFC000  }
0xe1: {  	_ =	swait.ge [sflag:s26], $0x4000  }
0xe2: {  	[sflag:s26] =	ssyncset.done $0x0  }
0xe3: {  	[sflag:s26] =	ssyncadd.s32 $0xFFFFC000  }
0xe4: {  	_ =	swait.ge [sflag:s26], $0x4000  }
0xe5: {  	[sflag:s26] =	ssyncset.done $0x0  }
0xe6: {  	[sflag:s26] =	ssyncadd.s32 $0xFFFFC000  }
0xe7: {  	_ =	swait.ge [sflag:s26], $0x4000  }
0xe8: {  	[sflag:s26] =	ssyncset.done $0x0  }
0xe9: {  	[sflag:s26] =	ssyncadd.s32 $0xFFFFC000  }
0xea: {  	_ =	swait.ge [sflag:s26], $0x4000  }
0xeb: {  	[sflag:s26] =	ssyncset.done $0x0  }
0xec: {  	[sflag:s26] =	ssyncadd.s32 $0xFFFFC000  }
.Ltmp0:
0xed: {  	_ =	swait.ge [sflag:s26], $0x4000;
	(pc) =	sbr.rel @p1 .LBB2_3-.Ltmp0, $4  }
0xee: {  	[sflag:s26] =	ssyncset.done $0x0  }
0xef: {  	[sflag:s26] =	ssyncadd.s32 $0xFFFFC000  }
0xf0: {  	_ =	swait.ge [sflag:s26], $0x4000  }
0xf1: {  	[sflag:s26] =	ssyncset.done $0x0  }
0xf2: {  	s29 =	smul.u32 $0x138800, s29;
	_ =	sdelay $0x1  }
0xf3: {  	s30 =	sadd.s32 s9, s29  }
0xf4: {  	[sflag:s26] =	ssyncadd.s32 $0xFFFFC000;
	s30 =	sshrl.u32 s30, $0x3  }
0xf5: {  	[bflag:$0x0] =	sbarrier.arrive $0xFFFF;
	s30 =	sadd.s32 s6, s30  }
0xf6: {  	[hbm:s30], [sflag:s13] =	dma.local [spmem:s24], $0x2700  }
0xf7: {  	s29 =	sshrl.u32 @!p0 s29, $0x3;
	_ =	swait.ge [sflag:s12], $0x2700  }
0xf8: {  	s29 =	sadd.s32 @!p0 s6, s29;
	[sflag:s12] =	ssyncset.done $0x0  }
0xf9: {  	s28 =	sadd.s32 $0x1, s28;
	s29 =	sadd.s32 @!p0 $0x27000, s29;
	[sflag:s12] =	ssyncadd.s32 $0xFFFFD900  }
0xfa: {  	[hbm:s29], [sflag:s13] =	dma.local @!p0 [spmem:s25], $0x100  }
0xfb: {  	p1 =	sne.s32 s28, $0x5;
	s29 =	simm.s32 @!p0 $0x2  }
.Ltmp1:
0xfc: {  	_ =	swait.ge @!p0 [sflag:s29], $0x100;
	(pc) =	sbr.rel @p1 .LBB2_2-.Ltmp1, $3  }
0xfd: {  	[sflag:s29] =	ssyncset.done @!p0 $0x0  }
0xfe: {  	[sflag:s29] =	ssyncadd.s32 @!p0 $0xFFFFFF00  }
0xff: {  	[bflag:$0x0] =	sbarrier.arrive $0xFFFF;
	_ =	sdelay $0x1  }
0x100: {  	s29 =	rddreg [dreg:$0x5]  }
0x101: {  	s28 =	rddreg [dreg:$0x4];
	s29 =	sadd.s32 $0x1, s29  }
0x102: {  	p1 =	sne.s32 s29, s28  }
.Ltmp2:
0x103: {  	_ = 	snop;
	(pc) =	sbr.rel @p1 .LBB2_1-.Ltmp2, $1  }
0x104: {  	_ =	sdelay $0x3  }
0x105: {  	_ =	sfence.sel $0x180000  }
0x106: {  	[bflag:$0x0] =	sbarrier.arrive $0xFFFF  }
0x107: {  	_ =	strace $0x90000047  }
0x108: {  	s0 =	stileid.u32;
	[bflag:$0x2] =	sbarrier.arrive $0xFFFF  }
0x109: {  	p0 =	sne.s32 s0, $0x0;
	s0 =	rddreg [dreg:$0x3]  }
0x10a: {  	s0 =	sadd.s32 @!p0 $0x100000, s0  }
0x10b: {  	[sflag:s0] =	ssyncadd.tile.s32 @!p0 $0x1;
	_ =	shalt  }
.Lfunc_end2:
_tile_overlayer_lowered:
.L_overlay_start_2:
0x10c: {  	(tag) =	ssettag $0x2  }
0x10d: {  	s0 =	rddreg [dreg:$0x0];
	s2 =	stileid.u32  }
0x10e: {  	s1 =	rddreg [dreg:$0x1];
	p0 =	sne.s32 s2, $0x0  }
0x10f: {  	s3 =	rddreg [dreg:$0x2];
	[bflag:$0x3] =	sbarrier.arrive $0xFFFF;
	s2 =	simm.s32 @!p0 $0x1C02  }
0x110: {  	[timem:s3], [sflag:s2] =	dma.local @!p0 [hbm:s0], s1  }
0x111: {  	s0 =	simm.s32 @!p0 $0x2  }
0x112: {  	_ =	swait.ge @!p0 [sflag:s0], s1  }
0x113: {  	s1 =	ssub.s32 @!p0 $0x0, s1;
	[sflag:s0] =	ssyncset.done @!p0 $0x0  }
0x114: {  	[sflag:s0] =	ssyncadd.s32 @!p0 s1  }
0x115: {  	[bflag:$0x3] =	sbarrier.arrive $0xFFFF  }
0x116: {  	_ =	shalt  }

</sc_bundles>
